<compile_context>
chip_gen: v7x
topology: tpu7x:2x2x1
jax: 0.10.2.dev20260603
libtpu: 0.0.44.dev20260713+nightly
codegen_flags: <defaults>
</compile_context>

<pallas_src>
import functools

import jax
import jax.numpy as jnp
from jax import lax
from jax.experimental import pallas as pl
from jax.experimental.pallas import tpu as pltpu
from jax.experimental.pallas import tpu_sc as plsc

_THR = 0.05
_TEMP = 2.0
_KL_WEIGHT = 0.2

_NS = 8192
_NT = 8192
_C = 22

_SBLK = 1024
_TCHUNK = 1024
_RBLK = 1024


def _nn_body(s_ref, tt_ref, oi_ref):
    s3x2 = s_ref[...] * 2.0
    sx = s_ref[:, 0:1]
    sy = s_ref[:, 1:2]
    sz = s_ref[:, 2:3]
    s2 = sx * sx + sy * sy + sz * sz
    iota = lax.broadcasted_iota(jnp.int32, (_SBLK, _TCHUNK), 1).astype(
        jnp.float32)
    run_min = jnp.full((_SBLK, 1), jnp.inf, jnp.float32)
    run_idx = jnp.zeros((_SBLK, 1), jnp.float32)
    for c in range(_NT // _TCHUNK):
        cols = pl.ds(c * _TCHUNK, _TCHUNK)
        tx = tt_ref[0:1, cols]
        ty = tt_ref[1:2, cols]
        tz = tt_ref[2:3, cols]
        t2 = tx * tx + ty * ty + tz * tz
        dot2 = lax.dot_general(s3x2, tt_ref[:, cols],
                               (((1,), (0,)), ((), ())),
                               preferred_element_type=jnp.float32)
        d2 = s2 - dot2 + t2
        cmin = jnp.min(d2, axis=1, keepdims=True)
        cidx = jnp.min(jnp.where(d2 == cmin, iota, float(_NT)), axis=1,
                       keepdims=True) + float(_TCHUNK) * c
        better = cmin < run_min
        run_idx = jnp.where(better, cidx, run_idx)
        run_min = jnp.minimum(run_min, cmin)
    oi_ref[...] = run_idx.astype(jnp.int32)


def _nn_cols(s_coord, t_coord_t):
    return pl.pallas_call(
        _nn_body,
        grid=(_NS // _SBLK,),
        in_specs=[
            pl.BlockSpec((_SBLK, 3), lambda i: (i, 0)),
            pl.BlockSpec((3, _NT), lambda i: (0, 0)),
        ],
        out_specs=pl.BlockSpec((_SBLK, 1), lambda i: (i, 0)),
        out_shape=jax.ShapeDtypeStruct((_NS, 1), jnp.int32),
        compiler_params=pltpu.CompilerParams(
            dimension_semantics=("arbitrary",)),
    )(s_coord, t_coord_t)


def _make_sc_gather():
    info = plsc.get_sparse_core_info()
    nw = info.num_cores * info.num_subcores
    b_per_w = _NS // nw
    mesh = plsc.VectorSubcoreMesh(core_axis_name="c", subcore_axis_name="s")

    @functools.partial(
        pl.kernel,
        out_type=jax.ShapeDtypeStruct((_NS, 128), jnp.float32),
        mesh=mesh,
        scratch_types=[pltpu.VMEM((b_per_w,), jnp.int32),
                       pltpu.VMEM((b_per_w, 128), jnp.float32),
                       pltpu.SemaphoreType.DMA],
    )
    def gather_kernel(tl_hbm, idx_hbm, gl_hbm, idx_v, rows_l, sem_l):
        wid = lax.axis_index("s") * info.num_cores + lax.axis_index("c")
        base = wid * b_per_w
        pltpu.sync_copy(idx_hbm.at[pl.ds(base, b_per_w)], idx_v)
        pltpu.async_copy(tl_hbm.at[idx_v], rows_l, sem_l).wait()
        pltpu.sync_copy(rows_l, gl_hbm.at[pl.ds(base, b_per_w)])

    return gather_kernel


def _kl_body(sc_ref, sl_ref, gl_ref, o_ref):
    kl_sum = jnp.zeros((1, 1), jnp.float32)
    n_sum = jnp.zeros((1, 1), jnp.float32)
    inv_t = 1.0 / _TEMP
    for c in range(_NS // _RBLK):
        rows = pl.ds(c * _RBLK, _RBLK)
        diff = sc_ref[rows, :] - gl_ref[rows, 32:35]
        dist = jnp.sqrt(jnp.sum(diff * diff, axis=1, keepdims=True))
        maskf = (dist <= _THR).astype(jnp.float32)
        sl = sl_ref[rows, :] * inv_t
        tl = gl_ref[rows, 0:_C] * inv_t
        sm = jnp.max(sl, axis=1, keepdims=True)
        s_lse = jnp.log(jnp.sum(jnp.exp(sl - sm), axis=1, keepdims=True)) + sm
        tm = jnp.max(tl, axis=1, keepdims=True)
        te = jnp.exp(tl - tm)
        tsum = jnp.sum(te, axis=1, keepdims=True)
        t_lse = jnp.log(tsum) + tm
        t_prob = te / tsum
        kl_per = jnp.sum(t_prob * ((tl - t_lse) - (sl - s_lse)),
                         axis=1, keepdims=True)
        kl_sum = kl_sum + jnp.sum(kl_per * maskf, keepdims=True)
        n_sum = n_sum + jnp.sum(maskf, keepdims=True)
    loss = jnp.where(n_sum > 0.0, kl_sum / jnp.maximum(n_sum, 1.0), 0.0)
    o_ref[...] = loss * (_TEMP * _TEMP * _KL_WEIGHT)


def _kl_loss(s_coord, s_logits, g_logits):
    return pl.pallas_call(
        _kl_body,
        in_specs=[
            pl.BlockSpec((_NS, 3), lambda: (0, 0)),
            pl.BlockSpec((_NS, _C), lambda: (0, 0)),
            pl.BlockSpec((_NS, 128), lambda: (0, 0)),
        ],
        out_specs=pl.BlockSpec((1, 1), lambda: (0, 0)),
        out_shape=jax.ShapeDtypeStruct((1, 1), jnp.float32),
    )(s_coord, s_logits, g_logits)


def kernel(s_coord, t_coord, s_logits, t_logits):
    col2d = _nn_cols(s_coord, t_coord.T)
    col = col2d.reshape(_NS)
    table = jnp.concatenate(
        [t_logits, jnp.zeros((_NT, 10), jnp.float32), t_coord,
         jnp.zeros((_NT, 93), jnp.float32)], axis=1)
    g_rows = _make_sc_gather()(table, col)
    out = _kl_loss(s_coord, s_logits, g_rows)
    return out[0, 0]

# --- scband reference (transcript-rebuilt; emitter-appended) ---
"""Pipeline reference for scband-matches-layer-distillation-segmentor-self-v2-84361747628541 (READ-ONLY COPY).

The authoritative reference and input builder live on the scoring server;
editing this copy changes nothing except your own understanding.
"""

import jax, jax.numpy as jnp
import numpy as np

THR = 0.05
TEMP = 2.0
KL_WEIGHT = 0.2

def setup_inputs(seed: int = 0) -> dict:
    key = jax.random.key(seed)
    k1, k2, k3, k4 = jax.random.split(key, 4)
    Ns, Nt, C = 8192, 8192, 22
    s_coord = jax.random.uniform(k1, (Ns, 3), dtype=jnp.float32)
    t_coord = jax.random.uniform(k2, (Nt, 3), dtype=jnp.float32)
    s_logits = jax.random.normal(k3, (Ns, C), dtype=jnp.float32)
    t_logits = jax.random.normal(k4, (Nt, C), dtype=jnp.float32)
    return {"s_coord": s_coord, "t_coord": t_coord, "s_logits": s_logits, "t_logits": t_logits}

def reference(s_coord, t_coord, s_logits, t_logits):
    # knn(t_coord, s_coord, k=1): for each student point, nearest teacher point.
    s2 = jnp.sum(s_coord * s_coord, axis=1)
    t2 = jnp.sum(t_coord * t_coord, axis=1)
    d2 = s2[:, None] - 2.0 * (s_coord @ t_coord.T) + t2[None, :]  # [Ns, Nt]
    col = jnp.argmin(d2, axis=1)  # nearest teacher index per student point
    # _pairwise_distance(s_coord[row], t_coord[col]) with row = arange(Ns)
    diff = s_coord - jnp.take(t_coord, col, axis=0)
    dist = jnp.sqrt(jnp.sum(diff * diff, axis=-1))
    mask = dist <= THR
    # teacher side is under no_grad in the original module
    t_logits_c = jax.lax.stop_gradient(jnp.take(t_logits, col, axis=0))
    s_logp = jax.nn.log_softmax(s_logits / TEMP, axis=1)
    t_prob = jax.nn.softmax(t_logits_c / TEMP, axis=1)
    t_logp = jax.nn.log_softmax(t_logits_c / TEMP, axis=1)
    # F.kl_div(s_logp, t_prob, reduction='batchmean') over masked matches
    kl_per = jnp.sum(t_prob * (t_logp - s_logp), axis=1)
    n = jnp.sum(mask.astype(jnp.float32))
    kl_sum = jnp.sum(kl_per * mask.astype(jnp.float32))
    kl_loss = jnp.where(n > 0, kl_sum / jnp.maximum(n, 1.0), 0.0) * (TEMP ** 2) * KL_WEIGHT
    return kl_loss

if __name__ == "__main__":
    import jax
    _d = setup_inputs()
    print(jax.jit(kernel)(*tuple(_d.values())))

</pallas_src>

<mosaic_0001>
#map = affine_map<(d0, d1) -> (0, 0)>
#map1 = affine_map<(d0, d1) -> (0)>
module attributes {stable_mosaic.version = 14 : i64} {
  func.func @gather_kernel(%arg0: i32, %arg1: i32, %arg2: memref<8192x128xf32, #tpu.memory_space<hbm>>, %arg3: memref<8192xi32, #tpu.memory_space<hbm>>, %arg4: memref<8192x128xf32, #tpu.memory_space<hbm>>, %arg5: memref<256xi32, #tpu.memory_space<vmem>>, %arg6: memref<256x128xf32, #tpu.memory_space<vmem>>, %arg7: memref<!tpu.dma_semaphore, #tpu.memory_space<semaphore_mem>>) attributes {dimension_semantics = [#tpu.dimension_semantics<core_parallel>, #tpu.dimension_semantics<subcore_parallel>], iteration_bounds = array<i64: 2, 16>, scalar_prefetch = 0 : i64, scratch_operands = 3 : i64, tpu.core_type = #tpu.core_type<sc_vector_subcore>, window_params = [{transform_indices = #map}, {transform_indices = #map1}, {transform_indices = #map}]} {
    %mul3A = arith.constant 2 : i32
    %mul3A_0 = arith.muli %arg1, %mul3A : i32
    %add3A = arith.addi %mul3A_0, %arg0 : i32
    %mul3A_1 = arith.constant 256 : i32
    %mul3A_2 = arith.muli %add3A, %mul3A_1 : i32
    "tpu.region"() ({
      %run_scoped3A = tpu.sem_alloc : memref<!tpu.dma_semaphore, #tpu.memory_space<semaphore_mem>>
      %dma_start3A_7 = tpu.memref_slice %arg3[%mul3A_2] : memref<8192xi32, #tpu.memory_space<hbm>> -> memref<256xi32, #tpu.memory_space<hbm>>
      %dma_start3A_8 = tpu.memref_slice %arg3[%mul3A_2] : memref<8192xi32, #tpu.memory_space<hbm>> -> memref<256xi32, #tpu.memory_space<hbm>>
      tpu.enqueue_dma source(%dma_start3A_8 : memref<256xi32, #tpu.memory_space<hbm>>) target(%arg5 : memref<256xi32, #tpu.memory_space<vmem>>) target_semaphore(%run_scoped3A : memref<!tpu.dma_semaphore, #tpu.memory_space<semaphore_mem>>)
      %dma_wait3A_9 = tpu.memref_slice %arg3[%mul3A_2] : memref<8192xi32, #tpu.memory_space<hbm>> -> memref<256xi32, #tpu.memory_space<hbm>>
      %dma_wait3A_10 = tpu.memref_slice %arg3[%mul3A_2] : memref<8192xi32, #tpu.memory_space<hbm>> -> memref<256xi32, #tpu.memory_space<hbm>>
      tpu.wait_dma2 semaphore(%run_scoped3A : memref<!tpu.dma_semaphore, #tpu.memory_space<semaphore_mem>>) src(%dma_wait3A_10 : memref<256xi32, #tpu.memory_space<hbm>>) dst(%arg5 : memref<256xi32, #tpu.memory_space<vmem>>)
      tpu.yield
    }) : () -> ()
    %dma_start3A = arith.constant 0 : i32
    %dma_start3A_3 = arith.constant 0 : i32
    %dma_start3A_4 = tpu.memref_slice %arg2[%dma_start3A, %dma_start3A_3] : memref<8192x128xf32, #tpu.memory_space<hbm>> -> memref<8192x128xf32, #tpu.memory_space<hbm>>
    tpu.enqueue_indirect_dma source(%dma_start3A_4 : memref<8192x128xf32, #tpu.memory_space<hbm>>) target(%arg6 : memref<256x128xf32, #tpu.memory_space<vmem>>) offsets(%arg5 : memref<256xi32, #tpu.memory_space<vmem>>) semaphore(%arg7 : memref<!tpu.dma_semaphore, #tpu.memory_space<semaphore_mem>>)
    %dma_wait3A = arith.constant 0 : i32
    %dma_wait3A_5 = arith.constant 0 : i32
    %dma_wait3A_6 = tpu.memref_slice %arg2[%dma_wait3A, %dma_wait3A_5] : memref<8192x128xf32, #tpu.memory_space<hbm>> -> memref<8192x128xf32, #tpu.memory_space<hbm>>
    tpu.wait_indirect_dma semaphore(%arg7 : memref<!tpu.dma_semaphore, #tpu.memory_space<semaphore_mem>>) src(%dma_wait3A_6 : memref<8192x128xf32, #tpu.memory_space<hbm>>) dst(%arg6 : memref<256x128xf32, #tpu.memory_space<vmem>>)
    "tpu.region"() ({
      %run_scoped3A = tpu.sem_alloc : memref<!tpu.dma_semaphore, #tpu.memory_space<semaphore_mem>>
      %dma_start3A_7 = arith.constant 0 : i32
      %dma_start3A_8 = tpu.memref_slice %arg4[%mul3A_2, %dma_start3A_7] : memref<8192x128xf32, #tpu.memory_space<hbm>> -> memref<256x128xf32, #tpu.memory_space<hbm>>
      %dma_start3A_9 = arith.constant 0 : i32
      %dma_start3A_10 = tpu.memref_slice %arg4[%mul3A_2, %dma_start3A_9] : memref<8192x128xf32, #tpu.memory_space<hbm>> -> memref<256x128xf32, #tpu.memory_space<hbm>>
      tpu.enqueue_dma source(%arg6 : memref<256x128xf32, #tpu.memory_space<vmem>>) target(%dma_start3A_10 : memref<256x128xf32, #tpu.memory_space<hbm>>) target_semaphore(%run_scoped3A : memref<!tpu.dma_semaphore, #tpu.memory_space<semaphore_mem>>)
      %dma_wait3A_11 = arith.constant 0 : i32
      %dma_wait3A_12 = tpu.memref_slice %arg4[%mul3A_2, %dma_wait3A_11] : memref<8192x128xf32, #tpu.memory_space<hbm>> -> memref<256x128xf32, #tpu.memory_space<hbm>>
      %dma_wait3A_13 = arith.constant 0 : i32
      %dma_wait3A_14 = tpu.memref_slice %arg4[%mul3A_2, %dma_wait3A_13] : memref<8192x128xf32, #tpu.memory_space<hbm>> -> memref<256x128xf32, #tpu.memory_space<hbm>>
      tpu.wait_dma2 semaphore(%run_scoped3A : memref<!tpu.dma_semaphore, #tpu.memory_space<semaphore_mem>>) src(%arg6 : memref<256x128xf32, #tpu.memory_space<vmem>>) dst(%dma_wait3A_14 : memref<256x128xf32, #tpu.memory_space<hbm>>)
      tpu.yield
    }) : () -> ()
    return
  }
}

module attributes {stable_mosaic.version = 14 : i64} {
  func.func @_nn_body(%arg0: i32, %arg1: memref<1024x3xf32, #tpu.memory_space<vmem>>, %arg2: memref<3x8192xf32, #tpu.memory_space<vmem>>, %arg3: memref<1024x1xi32, #tpu.memory_space<vmem>>) attributes {dimension_semantics = [#tpu.dimension_semantics<arbitrary>], iteration_bounds = array<i64: 8>, scalar_prefetch = 0 : i64, scratch_operands = 0 : i64, tpu.core_type = #tpu.core_type<tc>, window_params = [{transform_indices = @transform_0, window_bounds = array<i64: 1024, 3>}, {pipeline_mode = #tpu.pipeline_mode<synchronous>, transform_indices = @transform_1, window_bounds = array<i64: 3, 8192>}, {transform_indices = @transform_2, window_bounds = array<i64: 1024, 1>}]} {
    %get3A = arith.constant 0 : index
    %get3A_0 = arith.constant 0 : index
    %get3A_1 = vector.load %arg1[%get3A, %get3A_0] : memref<1024x3xf32, #tpu.memory_space<vmem>>, vector<1024x3xf32>
    %mul3A = arith.constant 2.000000e+00 : f32
    %mul3A_2 = vector.broadcast %mul3A : f32 to vector<1024x3xf32>
    %mul3A_3 = arith.mulf %get3A_1, %mul3A_2 : vector<1024x3xf32>
    %get3A_4 = arith.constant 0 : index
    %get3A_5 = arith.constant 0 : index
    %get3A_6 = vector.load %arg1[%get3A_4, %get3A_5] : memref<1024x3xf32, #tpu.memory_space<vmem>>, vector<1024x1xf32>
    %get3A_7 = arith.constant 0 : index
    %get3A_8 = arith.constant 1 : index
    %get3A_9 = vector.load %arg1[%get3A_7, %get3A_8] : memref<1024x3xf32, #tpu.memory_space<vmem>>, vector<1024x1xf32>
    %get3A_10 = arith.constant 0 : index
    %get3A_11 = arith.constant 2 : index
    %get3A_12 = vector.load %arg1[%get3A_10, %get3A_11] : memref<1024x3xf32, #tpu.memory_space<vmem>>, vector<1024x1xf32>
    %mul3A_13 = arith.mulf %get3A_6, %get3A_6 : vector<1024x1xf32>
    %mul3A_14 = arith.mulf %get3A_9, %get3A_9 : vector<1024x1xf32>
    %add3A = arith.addf %mul3A_13, %mul3A_14 : vector<1024x1xf32>
    %mul3A_15 = arith.mulf %get3A_12, %get3A_12 : vector<1024x1xf32>
    %add3A_16 = arith.addf %add3A, %mul3A_15 : vector<1024x1xf32>
    %iota3A = tpu.iota {dimensions = array<i32: 1>} : vector<1024x1024xi32>
    %convert_element_type3A = arith.sitofp %iota3A : vector<1024x1024xi32> to vector<1024x1024xf32>
    %broadcast_in_dim3A = arith.constant 0x7F800000 : f32
    %broadcast_in_dim3A_17 = vector.broadcast %broadcast_in_dim3A : f32 to vector<1024x1xf32>
    %broadcast_in_dim3A_18 = arith.constant 0.000000e+00 : f32
    %broadcast_in_dim3A_19 = vector.broadcast %broadcast_in_dim3A_18 : f32 to vector<1024x1xf32>
    %get3A_20 = arith.constant 0 : index
    %get3A_21 = arith.constant 0 : index
    %get3A_22 = vector.load %arg2[%get3A_20, %get3A_21] : memref<3x8192xf32, #tpu.memory_space<vmem>>, vector<1x1024xf32>
    %get3A_23 = arith.constant 1 : index
    %get3A_24 = arith.constant 0 : index
    %get3A_25 = vector.load %arg2[%get3A_23, %get3A_24] : memref<3x8192xf32, #tpu.memory_space<vmem>>, vector<1x1024xf32>
    %get3A_26 = arith.constant 2 : index
    %get3A_27 = arith.constant 0 : index
    %get3A_28 = vector.load %arg2[%get3A_26, %get3A_27] : memref<3x8192xf32, #tpu.memory_space<vmem>>, vector<1x1024xf32>
    %mul3A_29 = arith.mulf %get3A_22, %get3A_22 : vector<1x1024xf32>
    %mul3A_30 = arith.mulf %get3A_25, %get3A_25 : vector<1x1024xf32>
    %add3A_31 = arith.addf %mul3A_29, %mul3A_30 : vector<1x1024xf32>
    %mul3A_32 = arith.mulf %get3A_28, %get3A_28 : vector<1x1024xf32>
    %add3A_33 = arith.addf %add3A_31, %mul3A_32 : vector<1x1024xf32>
    %get3A_34 = arith.constant 0 : index
    %get3A_35 = arith.constant 0 : index
    %get3A_36 = vector.load %arg2[%get3A_34, %get3A_35] : memref<3x8192xf32, #tpu.memory_space<vmem>>, vector<3x1024xf32>
    %dot_general3A = arith.constant dense<0.000000e+00> : vector<1024x1024xf32>
    %dot_general3A_37 = tpu.matmul %mul3A_3, %get3A_36, %dot_general3A {dimension_numbers = #tpu.dot_dimension_numbers<[1], [0], [0], [1], [0, 0, 1, 1], [], []>, transpose_lhs_hint = false} : vector<1024x3xf32>, vector<3x1024xf32>, vector<1024x1024xf32> -> vector<1024x1024xf32>
    %sub3A = vector.broadcast %add3A_16 : vector<1024x1xf32> to vector<1024x1024xf32>
    %sub3A_38 = arith.subf %sub3A, %dot_general3A_37 : vector<1024x1024xf32>
    %add3A_39 = vector.broadcast %add3A_33 : vector<1x1024xf32> to vector<1024x1024xf32>
    %add3A_40 = arith.addf %sub3A_38, %add3A_39 : vector<1024x1024xf32>
    %reduce_min3A = arith.constant dense<0x7F800000> : vector<1024xf32>
    %reduce_min3A_41 = vector.multi_reduction <minimumf>, %add3A_40, %reduce_min3A [1] : vector<1024x1024xf32> to vector<1024xf32>
    %broadcast_in_dim3A_42 = vector.shape_cast %reduce_min3A_41 : vector<1024xf32> to vector<1024x1xf32>
    %eq3A = vector.broadcast %broadcast_in_dim3A_42 : vector<1024x1xf32> to vector<1024x1024xf32>
    %eq3A_43 = arith.cmpf oeq, %add3A_40, %eq3A : vector<1024x1024xf32>
    %jit3A = arith.constant 8.192000e+03 : f32
    %broadcast_in_dim3A_44 = vector.broadcast %jit3A : f32 to vector<1024x1024xf32>
    %select_n3A = arith.select %eq3A_43, %convert_element_type3A, %broadcast_in_dim3A_44 : vector<1024x1024xi1>, vector<1024x1024xf32>
    %reduce_min3A_45 = arith.constant dense<0x7F800000> : vector<1024xf32>
    %reduce_min3A_46 = vector.multi_reduction <minimumf>, %select_n3A, %reduce_min3A_45 [1] : vector<1024x1024xf32> to vector<1024xf32>
    %broadcast_in_dim3A_47 = vector.shape_cast %reduce_min3A_46 : vector<1024xf32> to vector<1024x1xf32>
    %add3A_48 = arith.constant 0.000000e+00 : f32
    %add3A_49 = vector.broadcast %add3A_48 : f32 to vector<1024x1xf32>
    %add3A_50 = arith.addf %broadcast_in_dim3A_47, %add3A_49 : vector<1024x1xf32>
    %lt3A = arith.cmpf olt, %broadcast_in_dim3A_42, %broadcast_in_dim3A_17 : vector<1024x1xf32>
    %select_n3A_51 = arith.select %lt3A, %add3A_50, %broadcast_in_dim3A_19 : vector<1024x1xi1>, vector<1024x1xf32>
    %min3A = arith.minimumf %broadcast_in_dim3A_17, %broadcast_in_dim3A_42 : vector<1024x1xf32>
    %get3A_52 = arith.constant 0 : index
    %get3A_53 = arith.constant 1024 : index
    %get3A_54 = vector.load %arg2[%get3A_52, %get3A_53] : memref<3x8192xf32, #tpu.memory_space<vmem>>, vector<1x1024xf32>
    %get3A_55 = arith.constant 1 : index
    %get3A_56 = arith.constant 1024 : index
    %get3A_57 = vector.load %arg2[%get3A_55, %get3A_56] : memref<3x8192xf32, #tpu.memory_space<vmem>>, vector<1x1024xf32>
    %get3A_58 = arith.constant 2 : index
    %get3A_59 = arith.constant 1024 : index
    %get3A_60 = vector.load %arg2[%get3A_58, %get3A_59] : memref<3x8192xf32, #tpu.memory_space<vmem>>, vector<1x1024xf32>
    %mul3A_61 = arith.mulf %get3A_54, %get3A_54 : vector<1x1024xf32>
    %mul3A_62 = arith.mulf %get3A_57, %get3A_57 : vector<1x1024xf32>
    %add3A_63 = arith.addf %mul3A_61, %mul3A_62 : vector<1x1024xf32>
    %mul3A_64 = arith.mulf %get3A_60, %get3A_60 : vector<1x1024xf32>
    %add3A_65 = arith.addf %add3A_63, %mul3A_64 : vector<1x1024xf32>
    %get3A_66 = arith.constant 0 : index
    %get3A_67 = arith.constant 1024 : index
    %get3A_68 = vector.load %arg2[%get3A_66, %get3A_67] : memref<3x8192xf32, #tpu.memory_space<vmem>>, vector<3x1024xf32>
    %dot_general3A_69 = arith.constant dense<0.000000e+00> : vector<1024x1024xf32>
    %dot_general3A_70 = tpu.matmul %mul3A_3, %get3A_68, %dot_general3A_69 {dimension_numbers = #tpu.dot_dimension_numbers<[1], [0], [0], [1], [0, 0, 1, 1], [], []>, transpose_lhs_hint = false} : vector<1024x3xf32>, vector<3x1024xf32>, vector<1024x1024xf32> -> vector<1024x1024xf32>
    %sub3A_71 = vector.broadcast %add3A_16 : vector<1024x1xf32> to vector<1024x1024xf32>
    %sub3A_72 = arith.subf %sub3A_71, %dot_general3A_70 : vector<1024x1024xf32>
    %add3A_73 = vector.broadcast %add3A_65 : vector<1x1024xf32> to vector<1024x1024xf32>
    %add3A_74 = arith.addf %sub3A_72, %add3A_73 : vector<1024x1024xf32>
    %reduce_min3A_75 = arith.constant dense<0x7F800000> : vector<1024xf32>
    %reduce_min3A_76 = vector.multi_reduction <minimumf>, %add3A_74, %reduce_min3A_75 [1] : vector<1024x1024xf32> to vector<1024xf32>
    %broadcast_in_dim3A_77 = vector.shape_cast %reduce_min3A_76 : vector<1024xf32> to vector<1024x1xf32>
    %eq3A_78 = vector.broadcast %broadcast_in_dim3A_77 : vector<1024x1xf32> to vector<1024x1024xf32>
    %eq3A_79 = arith.cmpf oeq, %add3A_74, %eq3A_78 : vector<1024x1024xf32>
    %jit3A_80 = arith.constant 8.192000e+03 : f32
    %broadcast_in_dim3A_81 = vector.broadcast %jit3A_80 : f32 to vector<1024x1024xf32>
    %select_n3A_82 = arith.select %eq3A_79, %convert_element_type3A, %broadcast_in_dim3A_81 : vector<1024x1024xi1>, vector<1024x1024xf32>
    %reduce_min3A_83 = arith.constant dense<0x7F800000> : vector<1024xf32>
    %reduce_min3A_84 = vector.multi_reduction <minimumf>, %select_n3A_82, %reduce_min3A_83 [1] : vector<1024x1024xf32> to vector<1024xf32>
    %broadcast_in_dim3A_85 = vector.shape_cast %reduce_min3A_84 : vector<1024xf32> to vector<1024x1xf32>
    %add3A_86 = arith.constant 1.024000e+03 : f32
    %add3A_87 = vector.broadcast %add3A_86 : f32 to vector<1024x1xf32>
    %add3A_88 = arith.addf %broadcast_in_dim3A_85, %add3A_87 : vector<1024x1xf32>
    %lt3A_89 = arith.cmpf olt, %broadcast_in_dim3A_77, %min3A : vector<1024x1xf32>
    %select_n3A_90 = arith.select %lt3A_89, %add3A_88, %select_n3A_51 : vector<1024x1xi1>, vector<1024x1xf32>
    %min3A_91 = arith.minimumf %min3A, %broadcast_in_dim3A_77 : vector<1024x1xf32>
    %get3A_92 = arith.constant 0 : index
    %get3A_93 = arith.constant 2048 : index
    %get3A_94 = vector.load %arg2[%get3A_92, %get3A_93] : memref<3x8192xf32, #tpu.memory_space<vmem>>, vector<1x1024xf32>
    %get3A_95 = arith.constant 1 : index
    %get3A_96 = arith.constant 2048 : index
    %get3A_97 = vector.load %arg2[%get3A_95, %get3A_96] : memref<3x8192xf32, #tpu.memory_space<vmem>>, vector<1x1024xf32>
    %get3A_98 = arith.constant 2 : index
    %get3A_99 = arith.constant 2048 : index
    %get3A_100 = vector.load %arg2[%get3A_98, %get3A_99] : memref<3x8192xf32, #tpu.memory_space<vmem>>, vector<1x1024xf32>
    %mul3A_101 = arith.mulf %get3A_94, %get3A_94 : vector<1x1024xf32>
    %mul3A_102 = arith.mulf %get3A_97, %get3A_97 : vector<1x1024xf32>
    %add3A_103 = arith.addf %mul3A_101, %mul3A_102 : vector<1x1024xf32>
    %mul3A_104 = arith.mulf %get3A_100, %get3A_100 : vector<1x1024xf32>
    %add3A_105 = arith.addf %add3A_103, %mul3A_104 : vector<1x1024xf32>
    %get3A_106 = arith.constant 0 : index
    %get3A_107 = arith.constant 2048 : index
    %get3A_108 = vector.load %arg2[%get3A_106, %get3A_107] : memref<3x8192xf32, #tpu.memory_space<vmem>>, vector<3x1024xf32>
    %dot_general3A_109 = arith.constant dense<0.000000e+00> : vector<1024x1024xf32>
    %dot_general3A_110 = tpu.matmul %mul3A_3, %get3A_108, %dot_general3A_109 {dimension_numbers = #tpu.dot_dimension_numbers<[1], [0], [0], [1], [0, 0, 1, 1], [], []>, transpose_lhs_hint = false} : vector<1024x3xf32>, vector<3x1024xf32>, vector<1024x1024xf32> -> vector<1024x1024xf32>
    %sub3A_111 = vector.broadcast %add3A_16 : vector<1024x1xf32> to vector<1024x1024xf32>
    %sub3A_112 = arith.subf %sub3A_111, %dot_general3A_110 : vector<1024x1024xf32>
    %add3A_113 = vector.broadcast %add3A_105 : vector<1x1024xf32> to vector<1024x1024xf32>
    %add3A_114 = arith.addf %sub3A_112, %add3A_113 : vector<1024x1024xf32>
    %reduce_min3A_115 = arith.constant dense<0x7F800000> : vector<1024xf32>
    %reduce_min3A_116 = vector.multi_reduction <minimumf>, %add3A_114, %reduce_min3A_115 [1] : vector<1024x1024xf32> to vector<1024xf32>
    %broadcast_in_dim3A_117 = vector.shape_cast %reduce_min3A_116 : vector<1024xf32> to vector<1024x1xf32>
    %eq3A_118 = vector.broadcast %broadcast_in_dim3A_117 : vector<1024x1xf32> to vector<1024x1024xf32>
    %eq3A_119 = arith.cmpf oeq, %add3A_114, %eq3A_118 : vector<1024x1024xf32>
    %jit3A_120 = arith.constant 8.192000e+03 : f32
    %broadcast_in_dim3A_121 = vector.broadcast %jit3A_120 : f32 to vector<1024x1024xf32>
    %select_n3A_122 = arith.select %eq3A_119, %convert_element_type3A, %broadcast_in_dim3A_121 : vector<1024x1024xi1>, vector<1024x1024xf32>
    %reduce_min3A_123 = arith.constant dense<0x7F800000> : vector<1024xf32>
    %reduce_min3A_124 = vector.multi_reduction <minimumf>, %select_n3A_122, %reduce_min3A_123 [1] : vector<1024x1024xf32> to vector<1024xf32>
    %broadcast_in_dim3A_125 = vector.shape_cast %reduce_min3A_124 : vector<1024xf32> to vector<1024x1xf32>
    %add3A_126 = arith.constant 2.048000e+03 : f32
    %add3A_127 = vector.broadcast %add3A_126 : f32 to vector<1024x1xf32>
    %add3A_128 = arith.addf %broadcast_in_dim3A_125, %add3A_127 : vector<1024x1xf32>
    %lt3A_129 = arith.cmpf olt, %broadcast_in_dim3A_117, %min3A_91 : vector<1024x1xf32>
    %select_n3A_130 = arith.select %lt3A_129, %add3A_128, %select_n3A_90 : vector<1024x1xi1>, vector<1024x1xf32>
    %min3A_131 = arith.minimumf %min3A_91, %broadcast_in_dim3A_117 : vector<1024x1xf32>
    %get3A_132 = arith.constant 0 : index
    %get3A_133 = arith.constant 3072 : index
    %get3A_134 = vector.load %arg2[%get3A_132, %get3A_133] : memref<3x8192xf32, #tpu.memory_space<vmem>>, vector<1x1024xf32>
    %get3A_135 = arith.constant 1 : index
    %get3A_136 = arith.constant 3072 : index
    %get3A_137 = vector.load %arg2[%get3A_135, %get3A_136] : memref<3x8192xf32, #tpu.memory_space<vmem>>, vector<1x1024xf32>
    %get3A_138 = arith.constant 2 : index
    %get3A_139 = arith.constant 3072 : index
    %get3A_140 = vector.load %arg2[%get3A_138, %get3A_139] : memref<3x8192xf32, #tpu.memory_space<vmem>>, vector<1x1024xf32>
    %mul3A_141 = arith.mulf %get3A_134, %get3A_134 : vector<1x1024xf32>
    %mul3A_142 = arith.mulf %get3A_137, %get3A_137 : vector<1x1024xf32>
    %add3A_143 = arith.addf %mul3A_141, %mul3A_142 : vector<1x1024xf32>
    %mul3A_144 = arith.mulf %get3A_140, %get3A_140 : vector<1x1024xf32>
    %add3A_145 = arith.addf %add3A_143, %mul3A_144 : vector<1x1024xf32>
    %get3A_146 = arith.constant 0 : index
    %get3A_147 = arith.constant 3072 : index
    %get3A_148 = vector.load %arg2[%get3A_146, %get3A_147] : memref<3x8192xf32, #tpu.memory_space<vmem>>, vector<3x1024xf32>
    %dot_general3A_149 = arith.constant dense<0.000000e+00> : vector<1024x1024xf32>
    %dot_general3A_150 = tpu.matmul %mul3A_3, %get3A_148, %dot_general3A_149 {dimension_numbers = #tpu.dot_dimension_numbers<[1], [0], [0], [1], [0, 0, 1, 1], [], []>, transpose_lhs_hint = false} : vector<1024x3xf32>, vector<3x1024xf32>, vector<1024x1024xf32> -> vector<1024x1024xf32>
    %sub3A_151 = vector.broadcast %add3A_16 : vector<1024x1xf32> to vector<1024x1024xf32>
    %sub3A_152 = arith.subf %sub3A_151, %dot_general3A_150 : vector<1024x1024xf32>
    %add3A_153 = vector.broadcast %add3A_145 : vector<1x1024xf32> to vector<1024x1024xf32>
    %add3A_154 = arith.addf %sub3A_152, %add3A_153 : vector<1024x1024xf32>
    %reduce_min3A_155 = arith.constant dense<0x7F800000> : vector<1024xf32>
    %reduce_min3A_156 = vector.multi_reduction <minimumf>, %add3A_154, %reduce_min3A_155 [1] : vector<1024x1024xf32> to vector<1024xf32>
    %broadcast_in_dim3A_157 = vector.shape_cast %reduce_min3A_156 : vector<1024xf32> to vector<1024x1xf32>
    %eq3A_158 = vector.broadcast %broadcast_in_dim3A_157 : vector<1024x1xf32> to vector<1024x1024xf32>
    %eq3A_159 = arith.cmpf oeq, %add3A_154, %eq3A_158 : vector<1024x1024xf32>
    %jit3A_160 = arith.constant 8.192000e+03 : f32
    %broadcast_in_dim3A_161 = vector.broadcast %jit3A_160 : f32 to vector<1024x1024xf32>
    %select_n3A_162 = arith.select %eq3A_159, %convert_element_type3A, %broadcast_in_dim3A_161 : vector<1024x1024xi1>, vector<1024x1024xf32>
    %reduce_min3A_163 = arith.constant dense<0x7F800000> : vector<1024xf32>
    %reduce_min3A_164 = vector.multi_reduction <minimumf>, %select_n3A_162, %reduce_min3A_163 [1] : vector<1024x1024xf32> to vector<1024xf32>
    %broadcast_in_dim3A_165 = vector.shape_cast %reduce_min3A_164 : vector<1024xf32> to vector<1024x1xf32>
    %add3A_166 = arith.constant 3.072000e+03 : f32
    %add3A_167 = vector.broadcast %add3A_166 : f32 to vector<1024x1xf32>
    %add3A_168 = arith.addf %broadcast_in_dim3A_165, %add3A_167 : vector<1024x1xf32>
    %lt3A_169 = arith.cmpf olt, %broadcast_in_dim3A_157, %min3A_131 : vector<1024x1xf32>
    %select_n3A_170 = arith.select %lt3A_169, %add3A_168, %select_n3A_130 : vector<1024x1xi1>, vector<1024x1xf32>
    %min3A_171 = arith.minimumf %min3A_131, %broadcast_in_dim3A_157 : vector<1024x1xf32>
    %get3A_172 = arith.constant 0 : index
    %get3A_173 = arith.constant 4096 : index
    %get3A_174 = vector.load %arg2[%get3A_172, %get3A_173] : memref<3x8192xf32, #tpu.memory_space<vmem>>, vector<1x1024xf32>
    %get3A_175 = arith.constant 1 : index
    %get3A_176 = arith.constant 4096 : index
    %get3A_177 = vector.load %arg2[%get3A_175, %get3A_176] : memref<3x8192xf32, #tpu.memory_space<vmem>>, vector<1x1024xf32>
    %get3A_178 = arith.constant 2 : index
    %get3A_179 = arith.constant 4096 : index
    %get3A_180 = vector.load %arg2[%get3A_178, %get3A_179] : memref<3x8192xf32, #tpu.memory_space<vmem>>, vector<1x1024xf32>
    %mul3A_181 = arith.mulf %get3A_174, %get3A_174 : vector<1x1024xf32>
    %mul3A_182 = arith.mulf %get3A_177, %get3A_177 : vector<1x1024xf32>
    %add3A_183 = arith.addf %mul3A_181, %mul3A_182 : vector<1x1024xf32>
    %mul3A_184 = arith.mulf %get3A_180, %get3A_180 : vector<1x1024xf32>
    %add3A_185 = arith.addf %add3A_183, %mul3A_184 : vector<1x1024xf32>
    %get3A_186 = arith.constant 0 : index
    %get3A_187 = arith.constant 4096 : index
    %get3A_188 = vector.load %arg2[%get3A_186, %get3A_187] : memref<3x8192xf32, #tpu.memory_space<vmem>>, vector<3x1024xf32>
    %dot_general3A_189 = arith.constant dense<0.000000e+00> : vector<1024x1024xf32>
    %dot_general3A_190 = tpu.matmul %mul3A_3, %get3A_188, %dot_general3A_189 {dimension_numbers = #tpu.dot_dimension_numbers<[1], [0], [0], [1], [0, 0, 1, 1], [], []>, transpose_lhs_hint = false} : vector<1024x3xf32>, vector<3x1024xf32>, vector<1024x1024xf32> -> vector<1024x1024xf32>
    %sub3A_191 = vector.broadcast %add3A_16 : vector<1024x1xf32> to vector<1024x1024xf32>
    %sub3A_192 = arith.subf %sub3A_191, %dot_general3A_190 : vector<1024x1024xf32>
    %add3A_193 = vector.broadcast %add3A_185 : vector<1x1024xf32> to vector<1024x1024xf32>
    %add3A_194 = arith.addf %sub3A_192, %add3A_193 : vector<1024x1024xf32>
    %reduce_min3A_195 = arith.constant dense<0x7F800000> : vector<1024xf32>
    %reduce_min3A_196 = vector.multi_reduction <minimumf>, %add3A_194, %reduce_min3A_195 [1] : vector<1024x1024xf32> to vector<1024xf32>
    %broadcast_in_dim3A_197 = vector.shape_cast %reduce_min3A_196 : vector<1024xf32> to vector<1024x1xf32>
    %eq3A_198 = vector.broadcast %broadcast_in_dim3A_197 : vector<1024x1xf32> to vector<1024x1024xf32>
    %eq3A_199 = arith.cmpf oeq, %add3A_194, %eq3A_198 : vector<1024x1024xf32>
    %jit3A_200 = arith.constant 8.192000e+03 : f32
    %broadcast_in_dim3A_201 = vector.broadcast %jit3A_200 : f32 to vector<1024x1024xf32>
    %select_n3A_202 = arith.select %eq3A_199, %convert_element_type3A, %broadcast_in_dim3A_201 : vector<1024x1024xi1>, vector<1024x1024xf32>
    %reduce_min3A_203 = arith.constant dense<0x7F800000> : vector<1024xf32>
    %reduce_min3A_204 = vector.multi_reduction <minimumf>, %select_n3A_202, %reduce_min3A_203 [1] : vector<1024x1024xf32> to vector<1024xf32>
    %broadcast_in_dim3A_205 = vector.shape_cast %reduce_min3A_204 : vector<1024xf32> to vector<1024x1xf32>
    %add3A_206 = arith.constant 4.096000e+03 : f32
    %add3A_207 = vector.broadcast %add3A_206 : f32 to vector<1024x1xf32>
    %add3A_208 = arith.addf %broadcast_in_dim3A_205, %add3A_207 : vector<1024x1xf32>
    %lt3A_209 = arith.cmpf olt, %broadcast_in_dim3A_197, %min3A_171 : vector<1024x1xf32>
    %select_n3A_210 = arith.select %lt3A_209, %add3A_208, %select_n3A_170 : vector<1024x1xi1>, vector<1024x1xf32>
    %min3A_211 = arith.minimumf %min3A_171, %broadcast_in_dim3A_197 : vector<1024x1xf32>
    %get3A_212 = arith.constant 0 : index
    %get3A_213 = arith.constant 5120 : index
    %get3A_214 = vector.load %arg2[%get3A_212, %get3A_213] : memref<3x8192xf32, #tpu.memory_space<vmem>>, vector<1x1024xf32>
    %get3A_215 = arith.constant 1 : index
    %get3A_216 = arith.constant 5120 : index
    %get3A_217 = vector.load %arg2[%get3A_215, %get3A_216] : memref<3x8192xf32, #tpu.memory_space<vmem>>, vector<1x1024xf32>
    %get3A_218 = arith.constant 2 : index
    %get3A_219 = arith.constant 5120 : index
    %get3A_220 = vector.load %arg2[%get3A_218, %get3A_219] : memref<3x8192xf32, #tpu.memory_space<vmem>>, vector<1x1024xf32>
    %mul3A_221 = arith.mulf %get3A_214, %get3A_214 : vector<1x1024xf32>
    %mul3A_222 = arith.mulf %get3A_217, %get3A_217 : vector<1x1024xf32>
    %add3A_223 = arith.addf %mul3A_221, %mul3A_222 : vector<1x1024xf32>
    %mul3A_224 = arith.mulf %get3A_220, %get3A_220 : vector<1x1024xf32>
    %add3A_225 = arith.addf %add3A_223, %mul3A_224 : vector<1x1024xf32>
    %get3A_226 = arith.constant 0 : index
    %get3A_227 = arith.constant 5120 : index
    %get3A_228 = vector.load %arg2[%get3A_226, %get3A_227] : memref<3x8192xf32, #tpu.memory_space<vmem>>, vector<3x1024xf32>
    %dot_general3A_229 = arith.constant dense<0.000000e+00> : vector<1024x1024xf32>
    %dot_general3A_230 = tpu.matmul %mul3A_3, %get3A_228, %dot_general3A_229 {dimension_numbers = #tpu.dot_dimension_numbers<[1], [0], [0], [1], [0, 0, 1, 1], [], []>, transpose_lhs_hint = false} : vector<1024x3xf32>, vector<3x1024xf32>, vector<1024x1024xf32> -> vector<1024x1024xf32>
    %sub3A_231 = vector.broadcast %add3A_16 : vector<1024x1xf32> to vector<1024x1024xf32>
    %sub3A_232 = arith.subf %sub3A_231, %dot_general3A_230 : vector<1024x1024xf32>
    %add3A_233 = vector.broadcast %add3A_225 : vector<1x1024xf32> to vector<1024x1024xf32>
    %add3A_234 = arith.addf %sub3A_232, %add3A_233 : vector<1024x1024xf32>
    %reduce_min3A_235 = arith.constant dense<0x7F800000> : vector<1024xf32>
    %reduce_min3A_236 = vector.multi_reduction <minimumf>, %add3A_234, %reduce_min3A_235 [1] : vector<1024x1024xf32> to vector<1024xf32>
    %broadcast_in_dim3A_237 = vector.shape_cast %reduce_min3A_236 : vector<1024xf32> to vector<1024x1xf32>
    %eq3A_238 = vector.broadcast %broadcast_in_dim3A_237 : vector<1024x1xf32> to vector<1024x1024xf32>
    %eq3A_239 = arith.cmpf oeq, %add3A_234, %eq3A_238 : vector<1024x1024xf32>
    %jit3A_240 = arith.constant 8.192000e+03 : f32
    %broadcast_in_dim3A_241 = vector.broadcast %jit3A_240 : f32 to vector<1024x1024xf32>
    %select_n3A_242 = arith.select %eq3A_239, %convert_element_type3A, %broadcast_in_dim3A_241 : vector<1024x1024xi1>, vector<1024x1024xf32>
    %reduce_min3A_243 = arith.constant dense<0x7F800000> : vector<1024xf32>
    %reduce_min3A_244 = vector.multi_reduction <minimumf>, %select_n3A_242, %reduce_min3A_243 [1] : vector<1024x1024xf32> to vector<1024xf32>
    %broadcast_in_dim3A_245 = vector.shape_cast %reduce_min3A_244 : vector<1024xf32> to vector<1024x1xf32>
    %add3A_246 = arith.constant 5.120000e+03 : f32
    %add3A_247 = vector.broadcast %add3A_246 : f32 to vector<1024x1xf32>
    %add3A_248 = arith.addf %broadcast_in_dim3A_245, %add3A_247 : vector<1024x1xf32>
    %lt3A_249 = arith.cmpf olt, %broadcast_in_dim3A_237, %min3A_211 : vector<1024x1xf32>
    %select_n3A_250 = arith.select %lt3A_249, %add3A_248, %select_n3A_210 : vector<1024x1xi1>, vector<1024x1xf32>
    %min3A_251 = arith.minimumf %min3A_211, %broadcast_in_dim3A_237 : vector<1024x1xf32>
    %get3A_252 = arith.constant 0 : index
    %get3A_253 = arith.constant 6144 : index
    %get3A_254 = vector.load %arg2[%get3A_252, %get3A_253] : memref<3x8192xf32, #tpu.memory_space<vmem>>, vector<1x1024xf32>
    %get3A_255 = arith.constant 1 : index
    %get3A_256 = arith.constant 6144 : index
    %get3A_257 = vector.load %arg2[%get3A_255, %get3A_256] : memref<3x8192xf32, #tpu.memory_space<vmem>>, vector<1x1024xf32>
    %get3A_258 = arith.constant 2 : index
    %get3A_259 = arith.constant 6144 : index
    %get3A_260 = vector.load %arg2[%get3A_258, %get3A_259] : memref<3x8192xf32, #tpu.memory_space<vmem>>, vector<1x1024xf32>
    %mul3A_261 = arith.mulf %get3A_254, %get3A_254 : vector<1x1024xf32>
    %mul3A_262 = arith.mulf %get3A_257, %get3A_257 : vector<1x1024xf32>
    %add3A_263 = arith.addf %mul3A_261, %mul3A_262 : vector<1x1024xf32>
    %mul3A_264 = arith.mulf %get3A_260, %get3A_260 : vector<1x1024xf32>
    %add3A_265 = arith.addf %add3A_263, %mul3A_264 : vector<1x1024xf32>
    %get3A_266 = arith.constant 0 : index
    %get3A_267 = arith.constant 6144 : index
    %get3A_268 = vector.load %arg2[%get3A_266, %get3A_267] : memref<3x8192xf32, #tpu.memory_space<vmem>>, vector<3x1024xf32>
    %dot_general3A_269 = arith.constant dense<0.000000e+00> : vector<1024x1024xf32>
    %dot_general3A_270 = tpu.matmul %mul3A_3, %get3A_268, %dot_general3A_269 {dimension_numbers = #tpu.dot_dimension_numbers<[1], [0], [0], [1], [0, 0, 1, 1], [], []>, transpose_lhs_hint = false} : vector<1024x3xf32>, vector<3x1024xf32>, vector<1024x1024xf32> -> vector<1024x1024xf32>
    %sub3A_271 = vector.broadcast %add3A_16 : vector<1024x1xf32> to vector<1024x1024xf32>
    %sub3A_272 = arith.subf %sub3A_271, %dot_general3A_270 : vector<1024x1024xf32>
    %add3A_273 = vector.broadcast %add3A_265 : vector<1x1024xf32> to vector<1024x1024xf32>
    %add3A_274 = arith.addf %sub3A_272, %add3A_273 : vector<1024x1024xf32>
    %reduce_min3A_275 = arith.constant dense<0x7F800000> : vector<1024xf32>
    %reduce_min3A_276 = vector.multi_reduction <minimumf>, %add3A_274, %reduce_min3A_275 [1] : vector<1024x1024xf32> to vector<1024xf32>
    %broadcast_in_dim3A_277 = vector.shape_cast %reduce_min3A_276 : vector<1024xf32> to vector<1024x1xf32>
    %eq3A_278 = vector.broadcast %broadcast_in_dim3A_277 : vector<1024x1xf32> to vector<1024x1024xf32>
    %eq3A_279 = arith.cmpf oeq, %add3A_274, %eq3A_278 : vector<1024x1024xf32>
    %jit3A_280 = arith.constant 8.192000e+03 : f32
    %broadcast_in_dim3A_281 = vector.broadcast %jit3A_280 : f32 to vector<1024x1024xf32>
    %select_n3A_282 = arith.select %eq3A_279, %convert_element_type3A, %broadcast_in_dim3A_281 : vector<1024x1024xi1>, vector<1024x1024xf32>
    %reduce_min3A_283 = arith.constant dense<0x7F800000> : vector<1024xf32>
    %reduce_min3A_284 = vector.multi_reduction <minimumf>, %select_n3A_282, %reduce_min3A_283 [1] : vector<1024x1024xf32> to vector<1024xf32>
    %broadcast_in_dim3A_285 = vector.shape_cast %reduce_min3A_284 : vector<1024xf32> to vector<1024x1xf32>
    %add3A_286 = arith.constant 6.144000e+03 : f32
    %add3A_287 = vector.broadcast %add3A_286 : f32 to vector<1024x1xf32>
    %add3A_288 = arith.addf %broadcast_in_dim3A_285, %add3A_287 : vector<1024x1xf32>
    %lt3A_289 = arith.cmpf olt, %broadcast_in_dim3A_277, %min3A_251 : vector<1024x1xf32>
    %select_n3A_290 = arith.select %lt3A_289, %add3A_288, %select_n3A_250 : vector<1024x1xi1>, vector<1024x1xf32>
    %min3A_291 = arith.minimumf %min3A_251, %broadcast_in_dim3A_277 : vector<1024x1xf32>
    %get3A_292 = arith.constant 0 : index
    %get3A_293 = arith.constant 7168 : index
    %get3A_294 = vector.load %arg2[%get3A_292, %get3A_293] : memref<3x8192xf32, #tpu.memory_space<vmem>>, vector<1x1024xf32>
    %get3A_295 = arith.constant 1 : index
    %get3A_296 = arith.constant 7168 : index
    %get3A_297 = vector.load %arg2[%get3A_295, %get3A_296] : memref<3x8192xf32, #tpu.memory_space<vmem>>, vector<1x1024xf32>
    %get3A_298 = arith.constant 2 : index
    %get3A_299 = arith.constant 7168 : index
    %get3A_300 = vector.load %arg2[%get3A_298, %get3A_299] : memref<3x8192xf32, #tpu.memory_space<vmem>>, vector<1x1024xf32>
    %mul3A_301 = arith.mulf %get3A_294, %get3A_294 : vector<1x1024xf32>
    %mul3A_302 = arith.mulf %get3A_297, %get3A_297 : vector<1x1024xf32>
    %add3A_303 = arith.addf %mul3A_301, %mul3A_302 : vector<1x1024xf32>
    %mul3A_304 = arith.mulf %get3A_300, %get3A_300 : vector<1x1024xf32>
    %add3A_305 = arith.addf %add3A_303, %mul3A_304 : vector<1x1024xf32>
    %get3A_306 = arith.constant 0 : index
    %get3A_307 = arith.constant 7168 : index
    %get3A_308 = vector.load %arg2[%get3A_306, %get3A_307] : memref<3x8192xf32, #tpu.memory_space<vmem>>, vector<3x1024xf32>
    %dot_general3A_309 = arith.constant dense<0.000000e+00> : vector<1024x1024xf32>
    %dot_general3A_310 = tpu.matmul %mul3A_3, %get3A_308, %dot_general3A_309 {dimension_numbers = #tpu.dot_dimension_numbers<[1], [0], [0], [1], [0, 0, 1, 1], [], []>, transpose_lhs_hint = false} : vector<1024x3xf32>, vector<3x1024xf32>, vector<1024x1024xf32> -> vector<1024x1024xf32>
    %sub3A_311 = vector.broadcast %add3A_16 : vector<1024x1xf32> to vector<1024x1024xf32>
    %sub3A_312 = arith.subf %sub3A_311, %dot_general3A_310 : vector<1024x1024xf32>
    %add3A_313 = vector.broadcast %add3A_305 : vector<1x1024xf32> to vector<1024x1024xf32>
    %add3A_314 = arith.addf %sub3A_312, %add3A_313 : vector<1024x1024xf32>
    %reduce_min3A_315 = arith.constant dense<0x7F800000> : vector<1024xf32>
    %reduce_min3A_316 = vector.multi_reduction <minimumf>, %add3A_314, %reduce_min3A_315 [1] : vector<1024x1024xf32> to vector<1024xf32>
    %broadcast_in_dim3A_317 = vector.shape_cast %reduce_min3A_316 : vector<1024xf32> to vector<1024x1xf32>
    %eq3A_318 = vector.broadcast %broadcast_in_dim3A_317 : vector<1024x1xf32> to vector<1024x1024xf32>
    %eq3A_319 = arith.cmpf oeq, %add3A_314, %eq3A_318 : vector<1024x1024xf32>
    %jit3A_320 = arith.constant 8.192000e+03 : f32
    %broadcast_in_dim3A_321 = vector.broadcast %jit3A_320 : f32 to vector<1024x1024xf32>
    %select_n3A_322 = arith.select %eq3A_319, %convert_element_type3A, %broadcast_in_dim3A_321 : vector<1024x1024xi1>, vector<1024x1024xf32>
    %reduce_min3A_323 = arith.constant dense<0x7F800000> : vector<1024xf32>
    %reduce_min3A_324 = vector.multi_reduction <minimumf>, %select_n3A_322, %reduce_min3A_323 [1] : vector<1024x1024xf32> to vector<1024xf32>
    %broadcast_in_dim3A_325 = vector.shape_cast %reduce_min3A_324 : vector<1024xf32> to vector<1024x1xf32>
    %add3A_326 = arith.constant 7.168000e+03 : f32
    %add3A_327 = vector.broadcast %add3A_326 : f32 to vector<1024x1xf32>
    %add3A_328 = arith.addf %broadcast_in_dim3A_325, %add3A_327 : vector<1024x1xf32>
    %lt3A_329 = arith.cmpf olt, %broadcast_in_dim3A_317, %min3A_291 : vector<1024x1xf32>
    %select_n3A_330 = arith.select %lt3A_329, %add3A_328, %select_n3A_290 : vector<1024x1xi1>, vector<1024x1xf32>
    %convert_element_type3A_331 = arith.fptosi %select_n3A_330 : vector<1024x1xf32> to vector<1024x1xi32>
    %swap3A = arith.constant 0 : index
    %swap3A_332 = arith.constant 0 : index
    %swap3A_333 = vector.load %arg3[%swap3A, %swap3A_332] : memref<1024x1xi32, #tpu.memory_space<vmem>>, vector<1024x1xi32>
    tpu.vector_store %arg3[%swap3A, %swap3A_332], %convert_element_type3A_331 {strides = array<i32>} : memref<1024x1xi32, #tpu.memory_space<vmem>>, vector<1024x1xi32>,
    return
  }
  func.func @transform_0(%arg0: i32) -> (i32, i32) {
    %c0_i32 = arith.constant 0 : i32
    %c0_i32_0 = arith.constant 0 : i32
    return %arg0, %c0_i32 : i32, i32
  }
  func.func @transform_1(%arg0: i32) -> (i32, i32) {
    %c0_i32 = arith.constant 0 : i32
    %c0_i32_0 = arith.constant 0 : i32
    %c0_i32_1 = arith.constant 0 : i32
    return %c0_i32, %c0_i32_0 : i32, i32
  }
  func.func @transform_2(%arg0: i32) -> (i32, i32) {
    %c0_i32 = arith.constant 0 : i32
    %c0_i32_0 = arith.constant 0 : i32
    return %arg0, %c0_i32 : i32, i32
  }
}

module attributes {stable_mosaic.version = 14 : i64} {
  func.func @_kl_body(%arg0: memref<8192x3xf32, #tpu.memory_space<vmem>>, %arg1: memref<8192x22xf32, #tpu.memory_space<vmem>>, %arg2: memref<8192x128xf32, #tpu.memory_space<vmem>>, %arg3: memref<1x1xf32, #tpu.memory_space<vmem>>) attributes {dimension_semantics = [], scalar_prefetch = 0 : i64, scratch_operands = 0 : i64, tpu.core_type = #tpu.core_type<tc>} {
    %broadcast_in_dim3A = arith.constant 0.000000e+00 : f32
    %broadcast_in_dim3A_0 = vector.broadcast %broadcast_in_dim3A : f32 to vector<1x1xf32>
    %broadcast_in_dim3A_1 = arith.constant 0.000000e+00 : f32
    %broadcast_in_dim3A_2 = vector.broadcast %broadcast_in_dim3A_1 : f32 to vector<1x1xf32>
    %get3A = arith.constant 0 : index
    %get3A_3 = arith.constant 0 : index
    %get3A_4 = vector.load %arg0[%get3A, %get3A_3] : memref<8192x3xf32, #tpu.memory_space<vmem>>, vector<1024x3xf32>
    %get3A_5 = arith.constant 0 : index
    %get3A_6 = arith.constant 32 : index
    %get3A_7 = vector.load %arg2[%get3A_5, %get3A_6] : memref<8192x128xf32, #tpu.memory_space<vmem>>, vector<1024x3xf32>
    %sub3A = arith.subf %get3A_4, %get3A_7 : vector<1024x3xf32>
    %mul3A = arith.mulf %sub3A, %sub3A : vector<1024x3xf32>
    %reduce_sum3A = arith.constant dense<0.000000e+00> : vector<1024xf32>
    %reduce_sum3A_8 = vector.multi_reduction <add>, %mul3A, %reduce_sum3A [1] : vector<1024x3xf32> to vector<1024xf32>
    %broadcast_in_dim3A_9 = vector.shape_cast %reduce_sum3A_8 : vector<1024xf32> to vector<1024x1xf32>
    %sqrt3A = math.sqrt %broadcast_in_dim3A_9 : vector<1024x1xf32>
    %le3A = arith.constant 5.000000e-02 : f32
    %le3A_10 = vector.broadcast %le3A : f32 to vector<1024x1xf32>
    %le3A_11 = arith.cmpf ole, %sqrt3A, %le3A_10 : vector<1024x1xf32>
    %convert_element_type3A = arith.extui %le3A_11 : vector<1024x1xi1> to vector<1024x1xi32>
    %convert_element_type3A_12 = arith.sitofp %convert_element_type3A : vector<1024x1xi32> to vector<1024x1xf32>
    %get3A_13 = arith.constant 0 : index
    %get3A_14 = arith.constant 0 : index
    %get3A_15 = vector.load %arg1[%get3A_13, %get3A_14] : memref<8192x22xf32, #tpu.memory_space<vmem>>, vector<1024x22xf32>
    %mul3A_16 = arith.constant 5.000000e-01 : f32
    %mul3A_17 = vector.broadcast %mul3A_16 : f32 to vector<1024x22xf32>
    %mul3A_18 = arith.mulf %get3A_15, %mul3A_17 : vector<1024x22xf32>
    %get3A_19 = arith.constant 0 : index
    %get3A_20 = arith.constant 0 : index
    %get3A_21 = vector.load %arg2[%get3A_19, %get3A_20] : memref<8192x128xf32, #tpu.memory_space<vmem>>, vector<1024x22xf32>
    %mul3A_22 = arith.constant 5.000000e-01 : f32
    %mul3A_23 = vector.broadcast %mul3A_22 : f32 to vector<1024x22xf32>
    %mul3A_24 = arith.mulf %get3A_21, %mul3A_23 : vector<1024x22xf32>
    %reduce_max3A = arith.constant dense<0xFF800000> : vector<1024xf32>
    %reduce_max3A_25 = vector.multi_reduction <maximumf>, %mul3A_18, %reduce_max3A [1] : vector<1024x22xf32> to vector<1024xf32>
    %broadcast_in_dim3A_26 = vector.shape_cast %reduce_max3A_25 : vector<1024xf32> to vector<1024x1xf32>
    %sub3A_27 = vector.broadcast %broadcast_in_dim3A_26 : vector<1024x1xf32> to vector<1024x22xf32>
    %sub3A_28 = arith.subf %mul3A_18, %sub3A_27 : vector<1024x22xf32>
    %exp3A = math.exp %sub3A_28 : vector<1024x22xf32>
    %reduce_sum3A_29 = arith.constant dense<0.000000e+00> : vector<1024xf32>
    %reduce_sum3A_30 = vector.multi_reduction <add>, %exp3A, %reduce_sum3A_29 [1] : vector<1024x22xf32> to vector<1024xf32>
    %broadcast_in_dim3A_31 = vector.shape_cast %reduce_sum3A_30 : vector<1024xf32> to vector<1024x1xf32>
    %log3A = math.log %broadcast_in_dim3A_31 : vector<1024x1xf32>
    %add3A = arith.addf %log3A, %broadcast_in_dim3A_26 : vector<1024x1xf32>
    %reduce_max3A_32 = arith.constant dense<0xFF800000> : vector<1024xf32>
    %reduce_max3A_33 = vector.multi_reduction <maximumf>, %mul3A_24, %reduce_max3A_32 [1] : vector<1024x22xf32> to vector<1024xf32>
    %broadcast_in_dim3A_34 = vector.shape_cast %reduce_max3A_33 : vector<1024xf32> to vector<1024x1xf32>
    %sub3A_35 = vector.broadcast %broadcast_in_dim3A_34 : vector<1024x1xf32> to vector<1024x22xf32>
    %sub3A_36 = arith.subf %mul3A_24, %sub3A_35 : vector<1024x22xf32>
    %exp3A_37 = math.exp %sub3A_36 : vector<1024x22xf32>
    %reduce_sum3A_38 = arith.constant dense<0.000000e+00> : vector<1024xf32>
    %reduce_sum3A_39 = vector.multi_reduction <add>, %exp3A_37, %reduce_sum3A_38 [1] : vector<1024x22xf32> to vector<1024xf32>
    %broadcast_in_dim3A_40 = vector.shape_cast %reduce_sum3A_39 : vector<1024xf32> to vector<1024x1xf32>
    %log3A_41 = math.log %broadcast_in_dim3A_40 : vector<1024x1xf32>
    %add3A_42 = arith.addf %log3A_41, %broadcast_in_dim3A_34 : vector<1024x1xf32>
    %div3A = vector.broadcast %broadcast_in_dim3A_40 : vector<1024x1xf32> to vector<1024x22xf32>
    %div3A_43 = arith.divf %exp3A_37, %div3A : vector<1024x22xf32>
    %sub3A_44 = vector.broadcast %add3A_42 : vector<1024x1xf32> to vector<1024x22xf32>
    %sub3A_45 = arith.subf %mul3A_24, %sub3A_44 : vector<1024x22xf32>
    %sub3A_46 = vector.broadcast %add3A : vector<1024x1xf32> to vector<1024x22xf32>
    %sub3A_47 = arith.subf %mul3A_18, %sub3A_46 : vector<1024x22xf32>
    %sub3A_48 = arith.subf %sub3A_45, %sub3A_47 : vector<1024x22xf32>
    %mul3A_49 = arith.mulf %div3A_43, %sub3A_48 : vector<1024x22xf32>
    %reduce_sum3A_50 = arith.constant dense<0.000000e+00> : vector<1024xf32>
    %reduce_sum3A_51 = vector.multi_reduction <add>, %mul3A_49, %reduce_sum3A_50 [1] : vector<1024x22xf32> to vector<1024xf32>
    %broadcast_in_dim3A_52 = vector.shape_cast %reduce_sum3A_51 : vector<1024xf32> to vector<1024x1xf32>
    %mul3A_53 = arith.mulf %broadcast_in_dim3A_52, %convert_element_type3A_12 : vector<1024x1xf32>
    %reduce_sum3A_54 = vector.shape_cast %mul3A_53 : vector<1024x1xf32> to vector<1x1024x1xf32>
    %reduce_sum3A_55 = arith.constant dense<0.000000e+00> : vector<1xf32>
    %reduce_sum3A_56 = vector.multi_reduction <add>, %reduce_sum3A_54, %reduce_sum3A_55 [1, 2] : vector<1x1024x1xf32> to vector<1xf32>
    %reduce_sum3A_57 = vector.shape_cast %reduce_sum3A_56 : vector<1xf32> to vector<1x1x1xf32>
    %reduce_sum3A_58 = vector.extract %reduce_sum3A_57[0, 0, 0] : f32 from vector<1x1x1xf32>
    %broadcast_in_dim3A_59 = vector.broadcast %reduce_sum3A_58 : f32 to vector<1x1xf32>
    %add3A_60 = arith.addf %broadcast_in_dim3A_0, %broadcast_in_dim3A_59 : vector<1x1xf32>
    %reduce_sum3A_61 = vector.shape_cast %convert_element_type3A_12 : vector<1024x1xf32> to vector<1x1024x1xf32>
    %reduce_sum3A_62 = arith.constant dense<0.000000e+00> : vector<1xf32>
    %reduce_sum3A_63 = vector.multi_reduction <add>, %reduce_sum3A_61, %reduce_sum3A_62 [1, 2] : vector<1x1024x1xf32> to vector<1xf32>
    %reduce_sum3A_64 = vector.shape_cast %reduce_sum3A_63 : vector<1xf32> to vector<1x1x1xf32>
    %reduce_sum3A_65 = vector.extract %reduce_sum3A_64[0, 0, 0] : f32 from vector<1x1x1xf32>
    %broadcast_in_dim3A_66 = vector.broadcast %reduce_sum3A_65 : f32 to vector<1x1xf32>
    %add3A_67 = arith.addf %broadcast_in_dim3A_2, %broadcast_in_dim3A_66 : vector<1x1xf32>
    %get3A_68 = arith.constant 1024 : index
    %get3A_69 = arith.constant 0 : index
    %get3A_70 = vector.load %arg0[%get3A_68, %get3A_69] : memref<8192x3xf32, #tpu.memory_space<vmem>>, vector<1024x3xf32>
    %get3A_71 = arith.constant 1024 : index
    %get3A_72 = arith.constant 32 : index
    %get3A_73 = vector.load %arg2[%get3A_71, %get3A_72] : memref<8192x128xf32, #tpu.memory_space<vmem>>, vector<1024x3xf32>
    %sub3A_74 = arith.subf %get3A_70, %get3A_73 : vector<1024x3xf32>
    %mul3A_75 = arith.mulf %sub3A_74, %sub3A_74 : vector<1024x3xf32>
    %reduce_sum3A_76 = arith.constant dense<0.000000e+00> : vector<1024xf32>
    %reduce_sum3A_77 = vector.multi_reduction <add>, %mul3A_75, %reduce_sum3A_76 [1] : vector<1024x3xf32> to vector<1024xf32>
    %broadcast_in_dim3A_78 = vector.shape_cast %reduce_sum3A_77 : vector<1024xf32> to vector<1024x1xf32>
    %sqrt3A_79 = math.sqrt %broadcast_in_dim3A_78 : vector<1024x1xf32>
    %le3A_80 = arith.constant 5.000000e-02 : f32
    %le3A_81 = vector.broadcast %le3A_80 : f32 to vector<1024x1xf32>
    %le3A_82 = arith.cmpf ole, %sqrt3A_79, %le3A_81 : vector<1024x1xf32>
    %convert_element_type3A_83 = arith.extui %le3A_82 : vector<1024x1xi1> to vector<1024x1xi32>
    %convert_element_type3A_84 = arith.sitofp %convert_element_type3A_83 : vector<1024x1xi32> to vector<1024x1xf32>
    %get3A_85 = arith.constant 1024 : index
    %get3A_86 = arith.constant 0 : index
    %get3A_87 = vector.load %arg1[%get3A_85, %get3A_86] : memref<8192x22xf32, #tpu.memory_space<vmem>>, vector<1024x22xf32>
    %mul3A_88 = arith.constant 5.000000e-01 : f32
    %mul3A_89 = vector.broadcast %mul3A_88 : f32 to vector<1024x22xf32>
    %mul3A_90 = arith.mulf %get3A_87, %mul3A_89 : vector<1024x22xf32>
    %get3A_91 = arith.constant 1024 : index
    %get3A_92 = arith.constant 0 : index
    %get3A_93 = vector.load %arg2[%get3A_91, %get3A_92] : memref<8192x128xf32, #tpu.memory_space<vmem>>, vector<1024x22xf32>
    %mul3A_94 = arith.constant 5.000000e-01 : f32
    %mul3A_95 = vector.broadcast %mul3A_94 : f32 to vector<1024x22xf32>
    %mul3A_96 = arith.mulf %get3A_93, %mul3A_95 : vector<1024x22xf32>
    %reduce_max3A_97 = arith.constant dense<0xFF800000> : vector<1024xf32>
    %reduce_max3A_98 = vector.multi_reduction <maximumf>, %mul3A_90, %reduce_max3A_97 [1] : vector<1024x22xf32> to vector<1024xf32>
    %broadcast_in_dim3A_99 = vector.shape_cast %reduce_max3A_98 : vector<1024xf32> to vector<1024x1xf32>
    %sub3A_100 = vector.broadcast %broadcast_in_dim3A_99 : vector<1024x1xf32> to vector<1024x22xf32>
    %sub3A_101 = arith.subf %mul3A_90, %sub3A_100 : vector<1024x22xf32>
    %exp3A_102 = math.exp %sub3A_101 : vector<1024x22xf32>
    %reduce_sum3A_103 = arith.constant dense<0.000000e+00> : vector<1024xf32>
    %reduce_sum3A_104 = vector.multi_reduction <add>, %exp3A_102, %reduce_sum3A_103 [1] : vector<1024x22xf32> to vector<1024xf32>
    %broadcast_in_dim3A_105 = vector.shape_cast %reduce_sum3A_104 : vector<1024xf32> to vector<1024x1xf32>
    %log3A_106 = math.log %broadcast_in_dim3A_105 : vector<1024x1xf32>
    %add3A_107 = arith.addf %log3A_106, %broadcast_in_dim3A_99 : vector<1024x1xf32>
    %reduce_max3A_108 = arith.constant dense<0xFF800000> : vector<1024xf32>
    %reduce_max3A_109 = vector.multi_reduction <maximumf>, %mul3A_96, %reduce_max3A_108 [1] : vector<1024x22xf32> to vector<1024xf32>
    %broadcast_in_dim3A_110 = vector.shape_cast %reduce_max3A_109 : vector<1024xf32> to vector<1024x1xf32>
    %sub3A_111 = vector.broadcast %broadcast_in_dim3A_110 : vector<1024x1xf32> to vector<1024x22xf32>
    %sub3A_112 = arith.subf %mul3A_96, %sub3A_111 : vector<1024x22xf32>
    %exp3A_113 = math.exp %sub3A_112 : vector<1024x22xf32>
    %reduce_sum3A_114 = arith.constant dense<0.000000e+00> : vector<1024xf32>
    %reduce_sum3A_115 = vector.multi_reduction <add>, %exp3A_113, %reduce_sum3A_114 [1] : vector<1024x22xf32> to vector<1024xf32>
    %broadcast_in_dim3A_116 = vector.shape_cast %reduce_sum3A_115 : vector<1024xf32> to vector<1024x1xf32>
    %log3A_117 = math.log %broadcast_in_dim3A_116 : vector<1024x1xf32>
    %add3A_118 = arith.addf %log3A_117, %broadcast_in_dim3A_110 : vector<1024x1xf32>
    %div3A_119 = vector.broadcast %broadcast_in_dim3A_116 : vector<1024x1xf32> to vector<1024x22xf32>
    %div3A_120 = arith.divf %exp3A_113, %div3A_119 : vector<1024x22xf32>
    %sub3A_121 = vector.broadcast %add3A_118 : vector<1024x1xf32> to vector<1024x22xf32>
    %sub3A_122 = arith.subf %mul3A_96, %sub3A_121 : vector<1024x22xf32>
    %sub3A_123 = vector.broadcast %add3A_107 : vector<1024x1xf32> to vector<1024x22xf32>
    %sub3A_124 = arith.subf %mul3A_90, %sub3A_123 : vector<1024x22xf32>
    %sub3A_125 = arith.subf %sub3A_122, %sub3A_124 : vector<1024x22xf32>
    %mul3A_126 = arith.mulf %div3A_120, %sub3A_125 : vector<1024x22xf32>
    %reduce_sum3A_127 = arith.constant dense<0.000000e+00> : vector<1024xf32>
    %reduce_sum3A_128 = vector.multi_reduction <add>, %mul3A_126, %reduce_sum3A_127 [1] : vector<1024x22xf32> to vector<1024xf32>
    %broadcast_in_dim3A_129 = vector.shape_cast %reduce_sum3A_128 : vector<1024xf32> to vector<1024x1xf32>
    %mul3A_130 = arith.mulf %broadcast_in_dim3A_129, %convert_element_type3A_84 : vector<1024x1xf32>
    %reduce_sum3A_131 = vector.shape_cast %mul3A_130 : vector<1024x1xf32> to vector<1x1024x1xf32>
    %reduce_sum3A_132 = arith.constant dense<0.000000e+00> : vector<1xf32>
    %reduce_sum3A_133 = vector.multi_reduction <add>, %reduce_sum3A_131, %reduce_sum3A_132 [1, 2] : vector<1x1024x1xf32> to vector<1xf32>
    %reduce_sum3A_134 = vector.shape_cast %reduce_sum3A_133 : vector<1xf32> to vector<1x1x1xf32>
    %reduce_sum3A_135 = vector.extract %reduce_sum3A_134[0, 0, 0] : f32 from vector<1x1x1xf32>
    %broadcast_in_dim3A_136 = vector.broadcast %reduce_sum3A_135 : f32 to vector<1x1xf32>
    %add3A_137 = arith.addf %add3A_60, %broadcast_in_dim3A_136 : vector<1x1xf32>
    %reduce_sum3A_138 = vector.shape_cast %convert_element_type3A_84 : vector<1024x1xf32> to vector<1x1024x1xf32>
    %reduce_sum3A_139 = arith.constant dense<0.000000e+00> : vector<1xf32>
    %reduce_sum3A_140 = vector.multi_reduction <add>, %reduce_sum3A_138, %reduce_sum3A_139 [1, 2] : vector<1x1024x1xf32> to vector<1xf32>
    %reduce_sum3A_141 = vector.shape_cast %reduce_sum3A_140 : vector<1xf32> to vector<1x1x1xf32>
    %reduce_sum3A_142 = vector.extract %reduce_sum3A_141[0, 0, 0] : f32 from vector<1x1x1xf32>
    %broadcast_in_dim3A_143 = vector.broadcast %reduce_sum3A_142 : f32 to vector<1x1xf32>
    %add3A_144 = arith.addf %add3A_67, %broadcast_in_dim3A_143 : vector<1x1xf32>
    %get3A_145 = arith.constant 2048 : index
    %get3A_146 = arith.constant 0 : index
    %get3A_147 = vector.load %arg0[%get3A_145, %get3A_146] : memref<8192x3xf32, #tpu.memory_space<vmem>>, vector<1024x3xf32>
    %get3A_148 = arith.constant 2048 : index
    %get3A_149 = arith.constant 32 : index
    %get3A_150 = vector.load %arg2[%get3A_148, %get3A_149] : memref<8192x128xf32, #tpu.memory_space<vmem>>, vector<1024x3xf32>
    %sub3A_151 = arith.subf %get3A_147, %get3A_150 : vector<1024x3xf32>
    %mul3A_152 = arith.mulf %sub3A_151, %sub3A_151 : vector<1024x3xf32>
    %reduce_sum3A_153 = arith.constant dense<0.000000e+00> : vector<1024xf32>
    %reduce_sum3A_154 = vector.multi_reduction <add>, %mul3A_152, %reduce_sum3A_153 [1] : vector<1024x3xf32> to vector<1024xf32>
    %broadcast_in_dim3A_155 = vector.shape_cast %reduce_sum3A_154 : vector<1024xf32> to vector<1024x1xf32>
    %sqrt3A_156 = math.sqrt %broadcast_in_dim3A_155 : vector<1024x1xf32>
    %le3A_157 = arith.constant 5.000000e-02 : f32
    %le3A_158 = vector.broadcast %le3A_157 : f32 to vector<1024x1xf32>
    %le3A_159 = arith.cmpf ole, %sqrt3A_156, %le3A_158 : vector<1024x1xf32>
    %convert_element_type3A_160 = arith.extui %le3A_159 : vector<1024x1xi1> to vector<1024x1xi32>
    %convert_element_type3A_161 = arith.sitofp %convert_element_type3A_160 : vector<1024x1xi32> to vector<1024x1xf32>
    %get3A_162 = arith.constant 2048 : index
    %get3A_163 = arith.constant 0 : index
    %get3A_164 = vector.load %arg1[%get3A_162, %get3A_163] : memref<8192x22xf32, #tpu.memory_space<vmem>>, vector<1024x22xf32>
    %mul3A_165 = arith.constant 5.000000e-01 : f32
    %mul3A_166 = vector.broadcast %mul3A_165 : f32 to vector<1024x22xf32>
    %mul3A_167 = arith.mulf %get3A_164, %mul3A_166 : vector<1024x22xf32>
    %get3A_168 = arith.constant 2048 : index
    %get3A_169 = arith.constant 0 : index
    %get3A_170 = vector.load %arg2[%get3A_168, %get3A_169] : memref<8192x128xf32, #tpu.memory_space<vmem>>, vector<1024x22xf32>
    %mul3A_171 = arith.constant 5.000000e-01 : f32
    %mul3A_172 = vector.broadcast %mul3A_171 : f32 to vector<1024x22xf32>
    %mul3A_173 = arith.mulf %get3A_170, %mul3A_172 : vector<1024x22xf32>
    %reduce_max3A_174 = arith.constant dense<0xFF800000> : vector<1024xf32>
    %reduce_max3A_175 = vector.multi_reduction <maximumf>, %mul3A_167, %reduce_max3A_174 [1] : vector<1024x22xf32> to vector<1024xf32>
    %broadcast_in_dim3A_176 = vector.shape_cast %reduce_max3A_175 : vector<1024xf32> to vector<1024x1xf32>
    %sub3A_177 = vector.broadcast %broadcast_in_dim3A_176 : vector<1024x1xf32> to vector<1024x22xf32>
    %sub3A_178 = arith.subf %mul3A_167, %sub3A_177 : vector<1024x22xf32>
    %exp3A_179 = math.exp %sub3A_178 : vector<1024x22xf32>
    %reduce_sum3A_180 = arith.constant dense<0.000000e+00> : vector<1024xf32>
    %reduce_sum3A_181 = vector.multi_reduction <add>, %exp3A_179, %reduce_sum3A_180 [1] : vector<1024x22xf32> to vector<1024xf32>
    %broadcast_in_dim3A_182 = vector.shape_cast %reduce_sum3A_181 : vector<1024xf32> to vector<1024x1xf32>
    %log3A_183 = math.log %broadcast_in_dim3A_182 : vector<1024x1xf32>
    %add3A_184 = arith.addf %log3A_183, %broadcast_in_dim3A_176 : vector<1024x1xf32>
    %reduce_max3A_185 = arith.constant dense<0xFF800000> : vector<1024xf32>
    %reduce_max3A_186 = vector.multi_reduction <maximumf>, %mul3A_173, %reduce_max3A_185 [1] : vector<1024x22xf32> to vector<1024xf32>
    %broadcast_in_dim3A_187 = vector.shape_cast %reduce_max3A_186 : vector<1024xf32> to vector<1024x1xf32>
    %sub3A_188 = vector.broadcast %broadcast_in_dim3A_187 : vector<1024x1xf32> to vector<1024x22xf32>
    %sub3A_189 = arith.subf %mul3A_173, %sub3A_188 : vector<1024x22xf32>
    %exp3A_190 = math.exp %sub3A_189 : vector<1024x22xf32>
    %reduce_sum3A_191 = arith.constant dense<0.000000e+00> : vector<1024xf32>
    %reduce_sum3A_192 = vector.multi_reduction <add>, %exp3A_190, %reduce_sum3A_191 [1] : vector<1024x22xf32> to vector<1024xf32>
    %broadcast_in_dim3A_193 = vector.shape_cast %reduce_sum3A_192 : vector<1024xf32> to vector<1024x1xf32>
    %log3A_194 = math.log %broadcast_in_dim3A_193 : vector<1024x1xf32>
    %add3A_195 = arith.addf %log3A_194, %broadcast_in_dim3A_187 : vector<1024x1xf32>
    %div3A_196 = vector.broadcast %broadcast_in_dim3A_193 : vector<1024x1xf32> to vector<1024x22xf32>
    %div3A_197 = arith.divf %exp3A_190, %div3A_196 : vector<1024x22xf32>
    %sub3A_198 = vector.broadcast %add3A_195 : vector<1024x1xf32> to vector<1024x22xf32>
    %sub3A_199 = arith.subf %mul3A_173, %sub3A_198 : vector<1024x22xf32>
    %sub3A_200 = vector.broadcast %add3A_184 : vector<1024x1xf32> to vector<1024x22xf32>
    %sub3A_201 = arith.subf %mul3A_167, %sub3A_200 : vector<1024x22xf32>
    %sub3A_202 = arith.subf %sub3A_199, %sub3A_201 : vector<1024x22xf32>
    %mul3A_203 = arith.mulf %div3A_197, %sub3A_202 : vector<1024x22xf32>
    %reduce_sum3A_204 = arith.constant dense<0.000000e+00> : vector<1024xf32>
    %reduce_sum3A_205 = vector.multi_reduction <add>, %mul3A_203, %reduce_sum3A_204 [1] : vector<1024x22xf32> to vector<1024xf32>
    %broadcast_in_dim3A_206 = vector.shape_cast %reduce_sum3A_205 : vector<1024xf32> to vector<1024x1xf32>
    %mul3A_207 = arith.mulf %broadcast_in_dim3A_206, %convert_element_type3A_161 : vector<1024x1xf32>
    %reduce_sum3A_208 = vector.shape_cast %mul3A_207 : vector<1024x1xf32> to vector<1x1024x1xf32>
    %reduce_sum3A_209 = arith.constant dense<0.000000e+00> : vector<1xf32>
    %reduce_sum3A_210 = vector.multi_reduction <add>, %reduce_sum3A_208, %reduce_sum3A_209 [1, 2] : vector<1x1024x1xf32> to vector<1xf32>
    %reduce_sum3A_211 = vector.shape_cast %reduce_sum3A_210 : vector<1xf32> to vector<1x1x1xf32>
    %reduce_sum3A_212 = vector.extract %reduce_sum3A_211[0, 0, 0] : f32 from vector<1x1x1xf32>
    %broadcast_in_dim3A_213 = vector.broadcast %reduce_sum3A_212 : f32 to vector<1x1xf32>
    %add3A_214 = arith.addf %add3A_137, %broadcast_in_dim3A_213 : vector<1x1xf32>
    %reduce_sum3A_215 = vector.shape_cast %convert_element_type3A_161 : vector<1024x1xf32> to vector<1x1024x1xf32>
    %reduce_sum3A_216 = arith.constant dense<0.000000e+00> : vector<1xf32>
    %reduce_sum3A_217 = vector.multi_reduction <add>, %reduce_sum3A_215, %reduce_sum3A_216 [1, 2] : vector<1x1024x1xf32> to vector<1xf32>
    %reduce_sum3A_218 = vector.shape_cast %reduce_sum3A_217 : vector<1xf32> to vector<1x1x1xf32>
    %reduce_sum3A_219 = vector.extract %reduce_sum3A_218[0, 0, 0] : f32 from vector<1x1x1xf32>
    %broadcast_in_dim3A_220 = vector.broadcast %reduce_sum3A_219 : f32 to vector<1x1xf32>
    %add3A_221 = arith.addf %add3A_144, %broadcast_in_dim3A_220 : vector<1x1xf32>
    %get3A_222 = arith.constant 3072 : index
    %get3A_223 = arith.constant 0 : index
    %get3A_224 = vector.load %arg0[%get3A_222, %get3A_223] : memref<8192x3xf32, #tpu.memory_space<vmem>>, vector<1024x3xf32>
    %get3A_225 = arith.constant 3072 : index
    %get3A_226 = arith.constant 32 : index
    %get3A_227 = vector.load %arg2[%get3A_225, %get3A_226] : memref<8192x128xf32, #tpu.memory_space<vmem>>, vector<1024x3xf32>
    %sub3A_228 = arith.subf %get3A_224, %get3A_227 : vector<1024x3xf32>
    %mul3A_229 = arith.mulf %sub3A_228, %sub3A_228 : vector<1024x3xf32>
    %reduce_sum3A_230 = arith.constant dense<0.000000e+00> : vector<1024xf32>
    %reduce_sum3A_231 = vector.multi_reduction <add>, %mul3A_229, %reduce_sum3A_230 [1] : vector<1024x3xf32> to vector<1024xf32>
    %broadcast_in_dim3A_232 = vector.shape_cast %reduce_sum3A_231 : vector<1024xf32> to vector<1024x1xf32>
    %sqrt3A_233 = math.sqrt %broadcast_in_dim3A_232 : vector<1024x1xf32>
    %le3A_234 = arith.constant 5.000000e-02 : f32
    %le3A_235 = vector.broadcast %le3A_234 : f32 to vector<1024x1xf32>
    %le3A_236 = arith.cmpf ole, %sqrt3A_233, %le3A_235 : vector<1024x1xf32>
    %convert_element_type3A_237 = arith.extui %le3A_236 : vector<1024x1xi1> to vector<1024x1xi32>
    %convert_element_type3A_238 = arith.sitofp %convert_element_type3A_237 : vector<1024x1xi32> to vector<1024x1xf32>
    %get3A_239 = arith.constant 3072 : index
    %get3A_240 = arith.constant 0 : index
    %get3A_241 = vector.load %arg1[%get3A_239, %get3A_240] : memref<8192x22xf32, #tpu.memory_space<vmem>>, vector<1024x22xf32>
    %mul3A_242 = arith.constant 5.000000e-01 : f32
    %mul3A_243 = vector.broadcast %mul3A_242 : f32 to vector<1024x22xf32>
    %mul3A_244 = arith.mulf %get3A_241, %mul3A_243 : vector<1024x22xf32>
    %get3A_245 = arith.constant 3072 : index
    %get3A_246 = arith.constant 0 : index
    %get3A_247 = vector.load %arg2[%get3A_245, %get3A_246] : memref<8192x128xf32, #tpu.memory_space<vmem>>, vector<1024x22xf32>
    %mul3A_248 = arith.constant 5.000000e-01 : f32
    %mul3A_249 = vector.broadcast %mul3A_248 : f32 to vector<1024x22xf32>
    %mul3A_250 = arith.mulf %get3A_247, %mul3A_249 : vector<1024x22xf32>
    %reduce_max3A_251 = arith.constant dense<0xFF800000> : vector<1024xf32>
    %reduce_max3A_252 = vector.multi_reduction <maximumf>, %mul3A_244, %reduce_max3A_251 [1] : vector<1024x22xf32> to vector<1024xf32>
    %broadcast_in_dim3A_253 = vector.shape_cast %reduce_max3A_252 : vector<1024xf32> to vector<1024x1xf32>
    %sub3A_254 = vector.broadcast %broadcast_in_dim3A_253 : vector<1024x1xf32> to vector<1024x22xf32>
    %sub3A_255 = arith.subf %mul3A_244, %sub3A_254 : vector<1024x22xf32>
    %exp3A_256 = math.exp %sub3A_255 : vector<1024x22xf32>
    %reduce_sum3A_257 = arith.constant dense<0.000000e+00> : vector<1024xf32>
    %reduce_sum3A_258 = vector.multi_reduction <add>, %exp3A_256, %reduce_sum3A_257 [1] : vector<1024x22xf32> to vector<1024xf32>
    %broadcast_in_dim3A_259 = vector.shape_cast %reduce_sum3A_258 : vector<1024xf32> to vector<1024x1xf32>
    %log3A_260 = math.log %broadcast_in_dim3A_259 : vector<1024x1xf32>
    %add3A_261 = arith.addf %log3A_260, %broadcast_in_dim3A_253 : vector<1024x1xf32>
    %reduce_max3A_262 = arith.constant dense<0xFF800000> : vector<1024xf32>
    %reduce_max3A_263 = vector.multi_reduction <maximumf>, %mul3A_250, %reduce_max3A_262 [1] : vector<1024x22xf32> to vector<1024xf32>
    %broadcast_in_dim3A_264 = vector.shape_cast %reduce_max3A_263 : vector<1024xf32> to vector<1024x1xf32>
    %sub3A_265 = vector.broadcast %broadcast_in_dim3A_264 : vector<1024x1xf32> to vector<1024x22xf32>
    %sub3A_266 = arith.subf %mul3A_250, %sub3A_265 : vector<1024x22xf32>
    %exp3A_267 = math.exp %sub3A_266 : vector<1024x22xf32>
    %reduce_sum3A_268 = arith.constant dense<0.000000e+00> : vector<1024xf32>
    %reduce_sum3A_269 = vector.multi_reduction <add>, %exp3A_267, %reduce_sum3A_268 [1] : vector<1024x22xf32> to vector<1024xf32>
    %broadcast_in_dim3A_270 = vector.shape_cast %reduce_sum3A_269 : vector<1024xf32> to vector<1024x1xf32>
    %log3A_271 = math.log %broadcast_in_dim3A_270 : vector<1024x1xf32>
    %add3A_272 = arith.addf %log3A_271, %broadcast_in_dim3A_264 : vector<1024x1xf32>
    %div3A_273 = vector.broadcast %broadcast_in_dim3A_270 : vector<1024x1xf32> to vector<1024x22xf32>
    %div3A_274 = arith.divf %exp3A_267, %div3A_273 : vector<1024x22xf32>
    %sub3A_275 = vector.broadcast %add3A_272 : vector<1024x1xf32> to vector<1024x22xf32>
    %sub3A_276 = arith.subf %mul3A_250, %sub3A_275 : vector<1024x22xf32>
    %sub3A_277 = vector.broadcast %add3A_261 : vector<1024x1xf32> to vector<1024x22xf32>
    %sub3A_278 = arith.subf %mul3A_244, %sub3A_277 : vector<1024x22xf32>
    %sub3A_279 = arith.subf %sub3A_276, %sub3A_278 : vector<1024x22xf32>
    %mul3A_280 = arith.mulf %div3A_274, %sub3A_279 : vector<1024x22xf32>
    %reduce_sum3A_281 = arith.constant dense<0.000000e+00> : vector<1024xf32>
    %reduce_sum3A_282 = vector.multi_reduction <add>, %mul3A_280, %reduce_sum3A_281 [1] : vector<1024x22xf32> to vector<1024xf32>
    %broadcast_in_dim3A_283 = vector.shape_cast %reduce_sum3A_282 : vector<1024xf32> to vector<1024x1xf32>
    %mul3A_284 = arith.mulf %broadcast_in_dim3A_283, %convert_element_type3A_238 : vector<1024x1xf32>
    %reduce_sum3A_285 = vector.shape_cast %mul3A_284 : vector<1024x1xf32> to vector<1x1024x1xf32>
    %reduce_sum3A_286 = arith.constant dense<0.000000e+00> : vector<1xf32>
    %reduce_sum3A_287 = vector.multi_reduction <add>, %reduce_sum3A_285, %reduce_sum3A_286 [1, 2] : vector<1x1024x1xf32> to vector<1xf32>
    %reduce_sum3A_288 = vector.shape_cast %reduce_sum3A_287 : vector<1xf32> to vector<1x1x1xf32>
    %reduce_sum3A_289 = vector.extract %reduce_sum3A_288[0, 0, 0] : f32 from vector<1x1x1xf32>
    %broadcast_in_dim3A_290 = vector.broadcast %reduce_sum3A_289 : f32 to vector<1x1xf32>
    %add3A_291 = arith.addf %add3A_214, %broadcast_in_dim3A_290 : vector<1x1xf32>
    %reduce_sum3A_292 = vector.shape_cast %convert_element_type3A_238 : vector<1024x1xf32> to vector<1x1024x1xf32>
    %reduce_sum3A_293 = arith.constant dense<0.000000e+00> : vector<1xf32>
    %reduce_sum3A_294 = vector.multi_reduction <add>, %reduce_sum3A_292, %reduce_sum3A_293 [1, 2] : vector<1x1024x1xf32> to vector<1xf32>
    %reduce_sum3A_295 = vector.shape_cast %reduce_sum3A_294 : vector<1xf32> to vector<1x1x1xf32>
    %reduce_sum3A_296 = vector.extract %reduce_sum3A_295[0, 0, 0] : f32 from vector<1x1x1xf32>
    %broadcast_in_dim3A_297 = vector.broadcast %reduce_sum3A_296 : f32 to vector<1x1xf32>
    %add3A_298 = arith.addf %add3A_221, %broadcast_in_dim3A_297 : vector<1x1xf32>
    %get3A_299 = arith.constant 4096 : index
    %get3A_300 = arith.constant 0 : index
    %get3A_301 = vector.load %arg0[%get3A_299, %get3A_300] : memref<8192x3xf32, #tpu.memory_space<vmem>>, vector<1024x3xf32>
    %get3A_302 = arith.constant 4096 : index
    %get3A_303 = arith.constant 32 : index
    %get3A_304 = vector.load %arg2[%get3A_302, %get3A_303] : memref<8192x128xf32, #tpu.memory_space<vmem>>, vector<1024x3xf32>
    %sub3A_305 = arith.subf %get3A_301, %get3A_304 : vector<1024x3xf32>
    %mul3A_306 = arith.mulf %sub3A_305, %sub3A_305 : vector<1024x3xf32>
    %reduce_sum3A_307 = arith.constant dense<0.000000e+00> : vector<1024xf32>
    %reduce_sum3A_308 = vector.multi_reduction <add>, %mul3A_306, %reduce_sum3A_307 [1] : vector<1024x3xf32> to vector<1024xf32>
    %broadcast_in_dim3A_309 = vector.shape_cast %reduce_sum3A_308 : vector<1024xf32> to vector<1024x1xf32>
    %sqrt3A_310 = math.sqrt %broadcast_in_dim3A_309 : vector<1024x1xf32>
    %le3A_311 = arith.constant 5.000000e-02 : f32
    %le3A_312 = vector.broadcast %le3A_311 : f32 to vector<1024x1xf32>
    %le3A_313 = arith.cmpf ole, %sqrt3A_310, %le3A_312 : vector<1024x1xf32>
    %convert_element_type3A_314 = arith.extui %le3A_313 : vector<1024x1xi1> to vector<1024x1xi32>
    %convert_element_type3A_315 = arith.sitofp %convert_element_type3A_314 : vector<1024x1xi32> to vector<1024x1xf32>
    %get3A_316 = arith.constant 4096 : index
    %get3A_317 = arith.constant 0 : index
    %get3A_318 = vector.load %arg1[%get3A_316, %get3A_317] : memref<8192x22xf32, #tpu.memory_space<vmem>>, vector<1024x22xf32>
    %mul3A_319 = arith.constant 5.000000e-01 : f32
    %mul3A_320 = vector.broadcast %mul3A_319 : f32 to vector<1024x22xf32>
    %mul3A_321 = arith.mulf %get3A_318, %mul3A_320 : vector<1024x22xf32>
    %get3A_322 = arith.constant 4096 : index
    %get3A_323 = arith.constant 0 : index
    %get3A_324 = vector.load %arg2[%get3A_322, %get3A_323] : memref<8192x128xf32, #tpu.memory_space<vmem>>, vector<1024x22xf32>
    %mul3A_325 = arith.constant 5.000000e-01 : f32
    %mul3A_326 = vector.broadcast %mul3A_325 : f32 to vector<1024x22xf32>
    %mul3A_327 = arith.mulf %get3A_324, %mul3A_326 : vector<1024x22xf32>
    %reduce_max3A_328 = arith.constant dense<0xFF800000> : vector<1024xf32>
    %reduce_max3A_329 = vector.multi_reduction <maximumf>, %mul3A_321, %reduce_max3A_328 [1] : vector<1024x22xf32> to vector<1024xf32>
    %broadcast_in_dim3A_330 = vector.shape_cast %reduce_max3A_329 : vector<1024xf32> to vector<1024x1xf32>
    %sub3A_331 = vector.broadcast %broadcast_in_dim3A_330 : vector<1024x1xf32> to vector<1024x22xf32>
    %sub3A_332 = arith.subf %mul3A_321, %sub3A_331 : vector<1024x22xf32>
    %exp3A_333 = math.exp %sub3A_332 : vector<1024x22xf32>
    %reduce_sum3A_334 = arith.constant dense<0.000000e+00> : vector<1024xf32>
    %reduce_sum3A_335 = vector.multi_reduction <add>, %exp3A_333, %reduce_sum3A_334 [1] : vector<1024x22xf32> to vector<1024xf32>
    %broadcast_in_dim3A_336 = vector.shape_cast %reduce_sum3A_335 : vector<1024xf32> to vector<1024x1xf32>
    %log3A_337 = math.log %broadcast_in_dim3A_336 : vector<1024x1xf32>
    %add3A_338 = arith.addf %log3A_337, %broadcast_in_dim3A_330 : vector<1024x1xf32>
    %reduce_max3A_339 = arith.constant dense<0xFF800000> : vector<1024xf32>
    %reduce_max3A_340 = vector.multi_reduction <maximumf>, %mul3A_327, %reduce_max3A_339 [1] : vector<1024x22xf32> to vector<1024xf32>
    %broadcast_in_dim3A_341 = vector.shape_cast %reduce_max3A_340 : vector<1024xf32> to vector<1024x1xf32>
    %sub3A_342 = vector.broadcast %broadcast_in_dim3A_341 : vector<1024x1xf32> to vector<1024x22xf32>
    %sub3A_343 = arith.subf %mul3A_327, %sub3A_342 : vector<1024x22xf32>
    %exp3A_344 = math.exp %sub3A_343 : vector<1024x22xf32>
    %reduce_sum3A_345 = arith.constant dense<0.000000e+00> : vector<1024xf32>
    %reduce_sum3A_346 = vector.multi_reduction <add>, %exp3A_344, %reduce_sum3A_345 [1] : vector<1024x22xf32> to vector<1024xf32>
    %broadcast_in_dim3A_347 = vector.shape_cast %reduce_sum3A_346 : vector<1024xf32> to vector<1024x1xf32>
    %log3A_348 = math.log %broadcast_in_dim3A_347 : vector<1024x1xf32>
    %add3A_349 = arith.addf %log3A_348, %broadcast_in_dim3A_341 : vector<1024x1xf32>
    %div3A_350 = vector.broadcast %broadcast_in_dim3A_347 : vector<1024x1xf32> to vector<1024x22xf32>
    %div3A_351 = arith.divf %exp3A_344, %div3A_350 : vector<1024x22xf32>
    %sub3A_352 = vector.broadcast %add3A_349 : vector<1024x1xf32> to vector<1024x22xf32>
    %sub3A_353 = arith.subf %mul3A_327, %sub3A_352 : vector<1024x22xf32>
    %sub3A_354 = vector.broadcast %add3A_338 : vector<1024x1xf32> to vector<1024x22xf32>
    %sub3A_355 = arith.subf %mul3A_321, %sub3A_354 : vector<1024x22xf32>
    %sub3A_356 = arith.subf %sub3A_353, %sub3A_355 : vector<1024x22xf32>
    %mul3A_357 = arith.mulf %div3A_351, %sub3A_356 : vector<1024x22xf32>
    %reduce_sum3A_358 = arith.constant dense<0.000000e+00> : vector<1024xf32>
    %reduce_sum3A_359 = vector.multi_reduction <add>, %mul3A_357, %reduce_sum3A_358 [1] : vector<1024x22xf32> to vector<1024xf32>
    %broadcast_in_dim3A_360 = vector.shape_cast %reduce_sum3A_359 : vector<1024xf32> to vector<1024x1xf32>
    %mul3A_361 = arith.mulf %broadcast_in_dim3A_360, %convert_element_type3A_315 : vector<1024x1xf32>
    %reduce_sum3A_362 = vector.shape_cast %mul3A_361 : vector<1024x1xf32> to vector<1x1024x1xf32>
    %reduce_sum3A_363 = arith.constant dense<0.000000e+00> : vector<1xf32>
    %reduce_sum3A_364 = vector.multi_reduction <add>, %reduce_sum3A_362, %reduce_sum3A_363 [1, 2] : vector<1x1024x1xf32> to vector<1xf32>
    %reduce_sum3A_365 = vector.shape_cast %reduce_sum3A_364 : vector<1xf32> to vector<1x1x1xf32>
    %reduce_sum3A_366 = vector.extract %reduce_sum3A_365[0, 0, 0] : f32 from vector<1x1x1xf32>
    %broadcast_in_dim3A_367 = vector.broadcast %reduce_sum3A_366 : f32 to vector<1x1xf32>
    %add3A_368 = arith.addf %add3A_291, %broadcast_in_dim3A_367 : vector<1x1xf32>
    %reduce_sum3A_369 = vector.shape_cast %convert_element_type3A_315 : vector<1024x1xf32> to vector<1x1024x1xf32>
    %reduce_sum3A_370 = arith.constant dense<0.000000e+00> : vector<1xf32>
    %reduce_sum3A_371 = vector.multi_reduction <add>, %reduce_sum3A_369, %reduce_sum3A_370 [1, 2] : vector<1x1024x1xf32> to vector<1xf32>
    %reduce_sum3A_372 = vector.shape_cast %reduce_sum3A_371 : vector<1xf32> to vector<1x1x1xf32>
    %reduce_sum3A_373 = vector.extract %reduce_sum3A_372[0, 0, 0] : f32 from vector<1x1x1xf32>
    %broadcast_in_dim3A_374 = vector.broadcast %reduce_sum3A_373 : f32 to vector<1x1xf32>
    %add3A_375 = arith.addf %add3A_298, %broadcast_in_dim3A_374 : vector<1x1xf32>
    %get3A_376 = arith.constant 5120 : index
    %get3A_377 = arith.constant 0 : index
    %get3A_378 = vector.load %arg0[%get3A_376, %get3A_377] : memref<8192x3xf32, #tpu.memory_space<vmem>>, vector<1024x3xf32>
    %get3A_379 = arith.constant 5120 : index
    %get3A_380 = arith.constant 32 : index
    %get3A_381 = vector.load %arg2[%get3A_379, %get3A_380] : memref<8192x128xf32, #tpu.memory_space<vmem>>, vector<1024x3xf32>
    %sub3A_382 = arith.subf %get3A_378, %get3A_381 : vector<1024x3xf32>
    %mul3A_383 = arith.mulf %sub3A_382, %sub3A_382 : vector<1024x3xf32>
    %reduce_sum3A_384 = arith.constant dense<0.000000e+00> : vector<1024xf32>
    %reduce_sum3A_385 = vector.multi_reduction <add>, %mul3A_383, %reduce_sum3A_384 [1] : vector<1024x3xf32> to vector<1024xf32>
    %broadcast_in_dim3A_386 = vector.shape_cast %reduce_sum3A_385 : vector<1024xf32> to vector<1024x1xf32>
    %sqrt3A_387 = math.sqrt %broadcast_in_dim3A_386 : vector<1024x1xf32>
    %le3A_388 = arith.constant 5.000000e-02 : f32
    %le3A_389 = vector.broadcast %le3A_388 : f32 to vector<1024x1xf32>
    %le3A_390 = arith.cmpf ole, %sqrt3A_387, %le3A_389 : vector<1024x1xf32>
    %convert_element_type3A_391 = arith.extui %le3A_390 : vector<1024x1xi1> to vector<1024x1xi32>
    %convert_element_type3A_392 = arith.sitofp %convert_element_type3A_391 : vector<1024x1xi32> to vector<1024x1xf32>
    %get3A_393 = arith.constant 5120 : index
    %get3A_394 = arith.constant 0 : index
    %get3A_395 = vector.load %arg1[%get3A_393, %get3A_394] : memref<8192x22xf32, #tpu.memory_space<vmem>>, vector<1024x22xf32>
    %mul3A_396 = arith.constant 5.000000e-01 : f32
    %mul3A_397 = vector.broadcast %mul3A_396 : f32 to vector<1024x22xf32>
    %mul3A_398 = arith.mulf %get3A_395, %mul3A_397 : vector<1024x22xf32>
    %get3A_399 = arith.constant 5120 : index
    %get3A_400 = arith.constant 0 : index
    %get3A_401 = vector.load %arg2[%get3A_399, %get3A_400] : memref<8192x128xf32, #tpu.memory_space<vmem>>, vector<1024x22xf32>
    %mul3A_402 = arith.constant 5.000000e-01 : f32
    %mul3A_403 = vector.broadcast %mul3A_402 : f32 to vector<1024x22xf32>
    %mul3A_404 = arith.mulf %get3A_401, %mul3A_403 : vector<1024x22xf32>
    %reduce_max3A_405 = arith.constant dense<0xFF800000> : vector<1024xf32>
    %reduce_max3A_406 = vector.multi_reduction <maximumf>, %mul3A_398, %reduce_max3A_405 [1] : vector<1024x22xf32> to vector<1024xf32>
    %broadcast_in_dim3A_407 = vector.shape_cast %reduce_max3A_406 : vector<1024xf32> to vector<1024x1xf32>
    %sub3A_408 = vector.broadcast %broadcast_in_dim3A_407 : vector<1024x1xf32> to vector<1024x22xf32>
    %sub3A_409 = arith.subf %mul3A_398, %sub3A_408 : vector<1024x22xf32>
    %exp3A_410 = math.exp %sub3A_409 : vector<1024x22xf32>
    %reduce_sum3A_411 = arith.constant dense<0.000000e+00> : vector<1024xf32>
    %reduce_sum3A_412 = vector.multi_reduction <add>, %exp3A_410, %reduce_sum3A_411 [1] : vector<1024x22xf32> to vector<1024xf32>
    %broadcast_in_dim3A_413 = vector.shape_cast %reduce_sum3A_412 : vector<1024xf32> to vector<1024x1xf32>
    %log3A_414 = math.log %broadcast_in_dim3A_413 : vector<1024x1xf32>
    %add3A_415 = arith.addf %log3A_414, %broadcast_in_dim3A_407 : vector<1024x1xf32>
    %reduce_max3A_416 = arith.constant dense<0xFF800000> : vector<1024xf32>
    %reduce_max3A_417 = vector.multi_reduction <maximumf>, %mul3A_404, %reduce_max3A_416 [1] : vector<1024x22xf32> to vector<1024xf32>
    %broadcast_in_dim3A_418 = vector.shape_cast %reduce_max3A_417 : vector<1024xf32> to vector<1024x1xf32>
    %sub3A_419 = vector.broadcast %broadcast_in_dim3A_418 : vector<1024x1xf32> to vector<1024x22xf32>
    %sub3A_420 = arith.subf %mul3A_404, %sub3A_419 : vector<1024x22xf32>
    %exp3A_421 = math.exp %sub3A_420 : vector<1024x22xf32>
    %reduce_sum3A_422 = arith.constant dense<0.000000e+00> : vector<1024xf32>
    %reduce_sum3A_423 = vector.multi_reduction <add>, %exp3A_421, %reduce_sum3A_422 [1] : vector<1024x22xf32> to vector<1024xf32>
    %broadcast_in_dim3A_424 = vector.shape_cast %reduce_sum3A_423 : vector<1024xf32> to vector<1024x1xf32>
    %log3A_425 = math.log %broadcast_in_dim3A_424 : vector<1024x1xf32>
    %add3A_426 = arith.addf %log3A_425, %broadcast_in_dim3A_418 : vector<1024x1xf32>
    %div3A_427 = vector.broadcast %broadcast_in_dim3A_424 : vector<1024x1xf32> to vector<1024x22xf32>
    %div3A_428 = arith.divf %exp3A_421, %div3A_427 : vector<1024x22xf32>
    %sub3A_429 = vector.broadcast %add3A_426 : vector<1024x1xf32> to vector<1024x22xf32>
    %sub3A_430 = arith.subf %mul3A_404, %sub3A_429 : vector<1024x22xf32>
    %sub3A_431 = vector.broadcast %add3A_415 : vector<1024x1xf32> to vector<1024x22xf32>
    %sub3A_432 = arith.subf %mul3A_398, %sub3A_431 : vector<1024x22xf32>
    %sub3A_433 = arith.subf %sub3A_430, %sub3A_432 : vector<1024x22xf32>
    %mul3A_434 = arith.mulf %div3A_428, %sub3A_433 : vector<1024x22xf32>
    %reduce_sum3A_435 = arith.constant dense<0.000000e+00> : vector<1024xf32>
    %reduce_sum3A_436 = vector.multi_reduction <add>, %mul3A_434, %reduce_sum3A_435 [1] : vector<1024x22xf32> to vector<1024xf32>
    %broadcast_in_dim3A_437 = vector.shape_cast %reduce_sum3A_436 : vector<1024xf32> to vector<1024x1xf32>
    %mul3A_438 = arith.mulf %broadcast_in_dim3A_437, %convert_element_type3A_392 : vector<1024x1xf32>
    %reduce_sum3A_439 = vector.shape_cast %mul3A_438 : vector<1024x1xf32> to vector<1x1024x1xf32>
    %reduce_sum3A_440 = arith.constant dense<0.000000e+00> : vector<1xf32>
    %reduce_sum3A_441 = vector.multi_reduction <add>, %reduce_sum3A_439, %reduce_sum3A_440 [1, 2] : vector<1x1024x1xf32> to vector<1xf32>
    %reduce_sum3A_442 = vector.shape_cast %reduce_sum3A_441 : vector<1xf32> to vector<1x1x1xf32>
    %reduce_sum3A_443 = vector.extract %reduce_sum3A_442[0, 0, 0] : f32 from vector<1x1x1xf32>
    %broadcast_in_dim3A_444 = vector.broadcast %reduce_sum3A_443 : f32 to vector<1x1xf32>
    %add3A_445 = arith.addf %add3A_368, %broadcast_in_dim3A_444 : vector<1x1xf32>
    %reduce_sum3A_446 = vector.shape_cast %convert_element_type3A_392 : vector<1024x1xf32> to vector<1x1024x1xf32>
    %reduce_sum3A_447 = arith.constant dense<0.000000e+00> : vector<1xf32>
    %reduce_sum3A_448 = vector.multi_reduction <add>, %reduce_sum3A_446, %reduce_sum3A_447 [1, 2] : vector<1x1024x1xf32> to vector<1xf32>
    %reduce_sum3A_449 = vector.shape_cast %reduce_sum3A_448 : vector<1xf32> to vector<1x1x1xf32>
    %reduce_sum3A_450 = vector.extract %reduce_sum3A_449[0, 0, 0] : f32 from vector<1x1x1xf32>
    %broadcast_in_dim3A_451 = vector.broadcast %reduce_sum3A_450 : f32 to vector<1x1xf32>
    %add3A_452 = arith.addf %add3A_375, %broadcast_in_dim3A_451 : vector<1x1xf32>
    %get3A_453 = arith.constant 6144 : index
    %get3A_454 = arith.constant 0 : index
    %get3A_455 = vector.load %arg0[%get3A_453, %get3A_454] : memref<8192x3xf32, #tpu.memory_space<vmem>>, vector<1024x3xf32>
    %get3A_456 = arith.constant 6144 : index
    %get3A_457 = arith.constant 32 : index
    %get3A_458 = vector.load %arg2[%get3A_456, %get3A_457] : memref<8192x128xf32, #tpu.memory_space<vmem>>, vector<1024x3xf32>
    %sub3A_459 = arith.subf %get3A_455, %get3A_458 : vector<1024x3xf32>
    %mul3A_460 = arith.mulf %sub3A_459, %sub3A_459 : vector<1024x3xf32>
    %reduce_sum3A_461 = arith.constant dense<0.000000e+00> : vector<1024xf32>
    %reduce_sum3A_462 = vector.multi_reduction <add>, %mul3A_460, %reduce_sum3A_461 [1] : vector<1024x3xf32> to vector<1024xf32>
    %broadcast_in_dim3A_463 = vector.shape_cast %reduce_sum3A_462 : vector<1024xf32> to vector<1024x1xf32>
    %sqrt3A_464 = math.sqrt %broadcast_in_dim3A_463 : vector<1024x1xf32>
    %le3A_465 = arith.constant 5.000000e-02 : f32
    %le3A_466 = vector.broadcast %le3A_465 : f32 to vector<1024x1xf32>
    %le3A_467 = arith.cmpf ole, %sqrt3A_464, %le3A_466 : vector<1024x1xf32>
    %convert_element_type3A_468 = arith.extui %le3A_467 : vector<1024x1xi1> to vector<1024x1xi32>
    %convert_element_type3A_469 = arith.sitofp %convert_element_type3A_468 : vector<1024x1xi32> to vector<1024x1xf32>
    %get3A_470 = arith.constant 6144 : index
    %get3A_471 = arith.constant 0 : index
    %get3A_472 = vector.load %arg1[%get3A_470, %get3A_471] : memref<8192x22xf32, #tpu.memory_space<vmem>>, vector<1024x22xf32>
    %mul3A_473 = arith.constant 5.000000e-01 : f32
    %mul3A_474 = vector.broadcast %mul3A_473 : f32 to vector<1024x22xf32>
    %mul3A_475 = arith.mulf %get3A_472, %mul3A_474 : vector<1024x22xf32>
    %get3A_476 = arith.constant 6144 : index
    %get3A_477 = arith.constant 0 : index
    %get3A_478 = vector.load %arg2[%get3A_476, %get3A_477] : memref<8192x128xf32, #tpu.memory_space<vmem>>, vector<1024x22xf32>
    %mul3A_479 = arith.constant 5.000000e-01 : f32
    %mul3A_480 = vector.broadcast %mul3A_479 : f32 to vector<1024x22xf32>
    %mul3A_481 = arith.mulf %get3A_478, %mul3A_480 : vector<1024x22xf32>
    %reduce_max3A_482 = arith.constant dense<0xFF800000> : vector<1024xf32>
    %reduce_max3A_483 = vector.multi_reduction <maximumf>, %mul3A_475, %reduce_max3A_482 [1] : vector<1024x22xf32> to vector<1024xf32>
    %broadcast_in_dim3A_484 = vector.shape_cast %reduce_max3A_483 : vector<1024xf32> to vector<1024x1xf32>
    %sub3A_485 = vector.broadcast %broadcast_in_dim3A_484 : vector<1024x1xf32> to vector<1024x22xf32>
    %sub3A_486 = arith.subf %mul3A_475, %sub3A_485 : vector<1024x22xf32>
    %exp3A_487 = math.exp %sub3A_486 : vector<1024x22xf32>
    %reduce_sum3A_488 = arith.constant dense<0.000000e+00> : vector<1024xf32>
    %reduce_sum3A_489 = vector.multi_reduction <add>, %exp3A_487, %reduce_sum3A_488 [1] : vector<1024x22xf32> to vector<1024xf32>
    %broadcast_in_dim3A_490 = vector.shape_cast %reduce_sum3A_489 : vector<1024xf32> to vector<1024x1xf32>
    %log3A_491 = math.log %broadcast_in_dim3A_490 : vector<1024x1xf32>
    %add3A_492 = arith.addf %log3A_491, %broadcast_in_dim3A_484 : vector<1024x1xf32>
    %reduce_max3A_493 = arith.constant dense<0xFF800000> : vector<1024xf32>
    %reduce_max3A_494 = vector.multi_reduction <maximumf>, %mul3A_481, %reduce_max3A_493 [1] : vector<1024x22xf32> to vector<1024xf32>
    %broadcast_in_dim3A_495 = vector.shape_cast %reduce_max3A_494 : vector<1024xf32> to vector<1024x1xf32>
    %sub3A_496 = vector.broadcast %broadcast_in_dim3A_495 : vector<1024x1xf32> to vector<1024x22xf32>
    %sub3A_497 = arith.subf %mul3A_481, %sub3A_496 : vector<1024x22xf32>
    %exp3A_498 = math.exp %sub3A_497 : vector<1024x22xf32>
    %reduce_sum3A_499 = arith.constant dense<0.000000e+00> : vector<1024xf32>
    %reduce_sum3A_500 = vector.multi_reduction <add>, %exp3A_498, %reduce_sum3A_499 [1] : vector<1024x22xf32> to vector<1024xf32>
    %broadcast_in_dim3A_501 = vector.shape_cast %reduce_sum3A_500 : vector<1024xf32> to vector<1024x1xf32>
    %log3A_502 = math.log %broadcast_in_dim3A_501 : vector<1024x1xf32>
    %add3A_503 = arith.addf %log3A_502, %broadcast_in_dim3A_495 : vector<1024x1xf32>
    %div3A_504 = vector.broadcast %broadcast_in_dim3A_501 : vector<1024x1xf32> to vector<1024x22xf32>
    %div3A_505 = arith.divf %exp3A_498, %div3A_504 : vector<1024x22xf32>
    %sub3A_506 = vector.broadcast %add3A_503 : vector<1024x1xf32> to vector<1024x22xf32>
    %sub3A_507 = arith.subf %mul3A_481, %sub3A_506 : vector<1024x22xf32>
    %sub3A_508 = vector.broadcast %add3A_492 : vector<1024x1xf32> to vector<1024x22xf32>
    %sub3A_509 = arith.subf %mul3A_475, %sub3A_508 : vector<1024x22xf32>
    %sub3A_510 = arith.subf %sub3A_507, %sub3A_509 : vector<1024x22xf32>
    %mul3A_511 = arith.mulf %div3A_505, %sub3A_510 : vector<1024x22xf32>
    %reduce_sum3A_512 = arith.constant dense<0.000000e+00> : vector<1024xf32>
    %reduce_sum3A_513 = vector.multi_reduction <add>, %mul3A_511, %reduce_sum3A_512 [1] : vector<1024x22xf32> to vector<1024xf32>
    %broadcast_in_dim3A_514 = vector.shape_cast %reduce_sum3A_513 : vector<1024xf32> to vector<1024x1xf32>
    %mul3A_515 = arith.mulf %broadcast_in_dim3A_514, %convert_element_type3A_469 : vector<1024x1xf32>
    %reduce_sum3A_516 = vector.shape_cast %mul3A_515 : vector<1024x1xf32> to vector<1x1024x1xf32>
    %reduce_sum3A_517 = arith.constant dense<0.000000e+00> : vector<1xf32>
    %reduce_sum3A_518 = vector.multi_reduction <add>, %reduce_sum3A_516, %reduce_sum3A_517 [1, 2] : vector<1x1024x1xf32> to vector<1xf32>
    %reduce_sum3A_519 = vector.shape_cast %reduce_sum3A_518 : vector<1xf32> to vector<1x1x1xf32>
    %reduce_sum3A_520 = vector.extract %reduce_sum3A_519[0, 0, 0] : f32 from vector<1x1x1xf32>
    %broadcast_in_dim3A_521 = vector.broadcast %reduce_sum3A_520 : f32 to vector<1x1xf32>
    %add3A_522 = arith.addf %add3A_445, %broadcast_in_dim3A_521 : vector<1x1xf32>
    %reduce_sum3A_523 = vector.shape_cast %convert_element_type3A_469 : vector<1024x1xf32> to vector<1x1024x1xf32>
    %reduce_sum3A_524 = arith.constant dense<0.000000e+00> : vector<1xf32>
    %reduce_sum3A_525 = vector.multi_reduction <add>, %reduce_sum3A_523, %reduce_sum3A_524 [1, 2] : vector<1x1024x1xf32> to vector<1xf32>
    %reduce_sum3A_526 = vector.shape_cast %reduce_sum3A_525 : vector<1xf32> to vector<1x1x1xf32>
    %reduce_sum3A_527 = vector.extract %reduce_sum3A_526[0, 0, 0] : f32 from vector<1x1x1xf32>
    %broadcast_in_dim3A_528 = vector.broadcast %reduce_sum3A_527 : f32 to vector<1x1xf32>
    %add3A_529 = arith.addf %add3A_452, %broadcast_in_dim3A_528 : vector<1x1xf32>
    %get3A_530 = arith.constant 7168 : index
    %get3A_531 = arith.constant 0 : index
    %get3A_532 = vector.load %arg0[%get3A_530, %get3A_531] : memref<8192x3xf32, #tpu.memory_space<vmem>>, vector<1024x3xf32>
    %get3A_533 = arith.constant 7168 : index
    %get3A_534 = arith.constant 32 : index
    %get3A_535 = vector.load %arg2[%get3A_533, %get3A_534] : memref<8192x128xf32, #tpu.memory_space<vmem>>, vector<1024x3xf32>
    %sub3A_536 = arith.subf %get3A_532, %get3A_535 : vector<1024x3xf32>
    %mul3A_537 = arith.mulf %sub3A_536, %sub3A_536 : vector<1024x3xf32>
    %reduce_sum3A_538 = arith.constant dense<0.000000e+00> : vector<1024xf32>
    %reduce_sum3A_539 = vector.multi_reduction <add>, %mul3A_537, %reduce_sum3A_538 [1] : vector<1024x3xf32> to vector<1024xf32>
    %broadcast_in_dim3A_540 = vector.shape_cast %reduce_sum3A_539 : vector<1024xf32> to vector<1024x1xf32>
    %sqrt3A_541 = math.sqrt %broadcast_in_dim3A_540 : vector<1024x1xf32>
    %le3A_542 = arith.constant 5.000000e-02 : f32
    %le3A_543 = vector.broadcast %le3A_542 : f32 to vector<1024x1xf32>
    %le3A_544 = arith.cmpf ole, %sqrt3A_541, %le3A_543 : vector<1024x1xf32>
    %convert_element_type3A_545 = arith.extui %le3A_544 : vector<1024x1xi1> to vector<1024x1xi32>
    %convert_element_type3A_546 = arith.sitofp %convert_element_type3A_545 : vector<1024x1xi32> to vector<1024x1xf32>
    %get3A_547 = arith.constant 7168 : index
    %get3A_548 = arith.constant 0 : index
    %get3A_549 = vector.load %arg1[%get3A_547, %get3A_548] : memref<8192x22xf32, #tpu.memory_space<vmem>>, vector<1024x22xf32>
    %mul3A_550 = arith.constant 5.000000e-01 : f32
    %mul3A_551 = vector.broadcast %mul3A_550 : f32 to vector<1024x22xf32>
    %mul3A_552 = arith.mulf %get3A_549, %mul3A_551 : vector<1024x22xf32>
    %get3A_553 = arith.constant 7168 : index
    %get3A_554 = arith.constant 0 : index
    %get3A_555 = vector.load %arg2[%get3A_553, %get3A_554] : memref<8192x128xf32, #tpu.memory_space<vmem>>, vector<1024x22xf32>
    %mul3A_556 = arith.constant 5.000000e-01 : f32
    %mul3A_557 = vector.broadcast %mul3A_556 : f32 to vector<1024x22xf32>
    %mul3A_558 = arith.mulf %get3A_555, %mul3A_557 : vector<1024x22xf32>
    %reduce_max3A_559 = arith.constant dense<0xFF800000> : vector<1024xf32>
    %reduce_max3A_560 = vector.multi_reduction <maximumf>, %mul3A_552, %reduce_max3A_559 [1] : vector<1024x22xf32> to vector<1024xf32>
    %broadcast_in_dim3A_561 = vector.shape_cast %reduce_max3A_560 : vector<1024xf32> to vector<1024x1xf32>
    %sub3A_562 = vector.broadcast %broadcast_in_dim3A_561 : vector<1024x1xf32> to vector<1024x22xf32>
    %sub3A_563 = arith.subf %mul3A_552, %sub3A_562 : vector<1024x22xf32>
    %exp3A_564 = math.exp %sub3A_563 : vector<1024x22xf32>
    %reduce_sum3A_565 = arith.constant dense<0.000000e+00> : vector<1024xf32>
    %reduce_sum3A_566 = vector.multi_reduction <add>, %exp3A_564, %reduce_sum3A_565 [1] : vector<1024x22xf32> to vector<1024xf32>
    %broadcast_in_dim3A_567 = vector.shape_cast %reduce_sum3A_566 : vector<1024xf32> to vector<1024x1xf32>
    %log3A_568 = math.log %broadcast_in_dim3A_567 : vector<1024x1xf32>
    %add3A_569 = arith.addf %log3A_568, %broadcast_in_dim3A_561 : vector<1024x1xf32>
    %reduce_max3A_570 = arith.constant dense<0xFF800000> : vector<1024xf32>
    %reduce_max3A_571 = vector.multi_reduction <maximumf>, %mul3A_558, %reduce_max3A_570 [1] : vector<1024x22xf32> to vector<1024xf32>
    %broadcast_in_dim3A_572 = vector.shape_cast %reduce_max3A_571 : vector<1024xf32> to vector<1024x1xf32>
    %sub3A_573 = vector.broadcast %broadcast_in_dim3A_572 : vector<1024x1xf32> to vector<1024x22xf32>
    %sub3A_574 = arith.subf %mul3A_558, %sub3A_573 : vector<1024x22xf32>
    %exp3A_575 = math.exp %sub3A_574 : vector<1024x22xf32>
    %reduce_sum3A_576 = arith.constant dense<0.000000e+00> : vector<1024xf32>
    %reduce_sum3A_577 = vector.multi_reduction <add>, %exp3A_575, %reduce_sum3A_576 [1] : vector<1024x22xf32> to vector<1024xf32>
    %broadcast_in_dim3A_578 = vector.shape_cast %reduce_sum3A_577 : vector<1024xf32> to vector<1024x1xf32>
    %log3A_579 = math.log %broadcast_in_dim3A_578 : vector<1024x1xf32>
    %add3A_580 = arith.addf %log3A_579, %broadcast_in_dim3A_572 : vector<1024x1xf32>
    %div3A_581 = vector.broadcast %broadcast_in_dim3A_578 : vector<1024x1xf32> to vector<1024x22xf32>
    %div3A_582 = arith.divf %exp3A_575, %div3A_581 : vector<1024x22xf32>
    %sub3A_583 = vector.broadcast %add3A_580 : vector<1024x1xf32> to vector<1024x22xf32>
    %sub3A_584 = arith.subf %mul3A_558, %sub3A_583 : vector<1024x22xf32>
    %sub3A_585 = vector.broadcast %add3A_569 : vector<1024x1xf32> to vector<1024x22xf32>
    %sub3A_586 = arith.subf %mul3A_552, %sub3A_585 : vector<1024x22xf32>
    %sub3A_587 = arith.subf %sub3A_584, %sub3A_586 : vector<1024x22xf32>
    %mul3A_588 = arith.mulf %div3A_582, %sub3A_587 : vector<1024x22xf32>
    %reduce_sum3A_589 = arith.constant dense<0.000000e+00> : vector<1024xf32>
    %reduce_sum3A_590 = vector.multi_reduction <add>, %mul3A_588, %reduce_sum3A_589 [1] : vector<1024x22xf32> to vector<1024xf32>
    %broadcast_in_dim3A_591 = vector.shape_cast %reduce_sum3A_590 : vector<1024xf32> to vector<1024x1xf32>
    %mul3A_592 = arith.mulf %broadcast_in_dim3A_591, %convert_element_type3A_546 : vector<1024x1xf32>
    %reduce_sum3A_593 = vector.shape_cast %mul3A_592 : vector<1024x1xf32> to vector<1x1024x1xf32>
    %reduce_sum3A_594 = arith.constant dense<0.000000e+00> : vector<1xf32>
    %reduce_sum3A_595 = vector.multi_reduction <add>, %reduce_sum3A_593, %reduce_sum3A_594 [1, 2] : vector<1x1024x1xf32> to vector<1xf32>
    %reduce_sum3A_596 = vector.shape_cast %reduce_sum3A_595 : vector<1xf32> to vector<1x1x1xf32>
    %reduce_sum3A_597 = vector.extract %reduce_sum3A_596[0, 0, 0] : f32 from vector<1x1x1xf32>
    %broadcast_in_dim3A_598 = vector.broadcast %reduce_sum3A_597 : f32 to vector<1x1xf32>
    %add3A_599 = arith.addf %add3A_522, %broadcast_in_dim3A_598 : vector<1x1xf32>
    %reduce_sum3A_600 = vector.shape_cast %convert_element_type3A_546 : vector<1024x1xf32> to vector<1x1024x1xf32>
    %reduce_sum3A_601 = arith.constant dense<0.000000e+00> : vector<1xf32>
    %reduce_sum3A_602 = vector.multi_reduction <add>, %reduce_sum3A_600, %reduce_sum3A_601 [1, 2] : vector<1x1024x1xf32> to vector<1xf32>
    %reduce_sum3A_603 = vector.shape_cast %reduce_sum3A_602 : vector<1xf32> to vector<1x1x1xf32>
    %reduce_sum3A_604 = vector.extract %reduce_sum3A_603[0, 0, 0] : f32 from vector<1x1x1xf32>
    %broadcast_in_dim3A_605 = vector.broadcast %reduce_sum3A_604 : f32 to vector<1x1xf32>
    %add3A_606 = arith.addf %add3A_529, %broadcast_in_dim3A_605 : vector<1x1xf32>
    %gt3A = arith.constant 0.000000e+00 : f32
    %gt3A_607 = vector.broadcast %gt3A : f32 to vector<1x1xf32>
    %gt3A_608 = arith.cmpf ogt, %add3A_606, %gt3A_607 : vector<1x1xf32>
    %max3A = arith.constant 1.000000e+00 : f32
    %max3A_609 = vector.broadcast %max3A : f32 to vector<1x1xf32>
    %max3A_610 = arith.maximumf %add3A_606, %max3A_609 : vector<1x1xf32>
    %div3A_611 = arith.divf %add3A_599, %max3A_610 : vector<1x1xf32>
    %jit3A = arith.constant 0.000000e+00 : f32
    %broadcast_in_dim3A_612 = vector.broadcast %jit3A : f32 to vector<1x1xf32>
    %select_n3A = arith.select %gt3A_608, %div3A_611, %broadcast_in_dim3A_612 : vector<1x1xi1>, vector<1x1xf32>
    %mul3A_613 = arith.constant 8.000000e-01 : f32
    %mul3A_614 = vector.broadcast %mul3A_613 : f32 to vector<1x1xf32>
    %mul3A_615 = arith.mulf %select_n3A, %mul3A_614 : vector<1x1xf32>
    %swap3A = arith.constant 0 : index
    %swap3A_616 = arith.constant 0 : index
    %swap3A_617 = vector.load %arg3[%swap3A, %swap3A_616] : memref<1x1xf32, #tpu.memory_space<vmem>>, vector<1x1xf32>
    tpu.vector_store %arg3[%swap3A, %swap3A_616], %mul3A_615 {strides = array<i32>} : memref<1x1xf32, #tpu.memory_space<vmem>>, vector<1x1xf32>,
    return
  }
}

</mosaic_0001>

<sc_bundles>
// kernel: kernel.5.cloned.1.call-start
scs
__scs_entry_jumppad:
0x0: {  	(pc) =	sbr.rel $0x88, $3  }
0x1: {  	(tag) =	ssettag $0x0;
	lr =	simm.s32 $0x1  }
0x2: {  	[smem:$0x3F9D] =	sst lr;
	_ =	strace $0xD0000000  }
0x3: {  	_ = 	snop  }
0x4: {  	_ = 	snop  }
0x5: {  	_ = 	snop  }
0x6: {  	_ = 	snop  }
0x7: {  	_ = 	snop  }
__scs_overlays_trampoline_lowered:
0x8: {  	[smem:$0x3FAC] =	sst s0  }
0x9: {  	[smem:$0x3FAD] =	sst s1  }
0xa: {  	[smem:$0x3FAE] =	sst s2  }
0xb: {  	[smem:$0x3FAF] =	sst s3  }
0xc: {  	[smem:$0x3FB0] =	sst s4  }
0xd: {  	[smem:$0x3FB1] =	sst s5  }
0xe: {  	[smem:$0x3FB2] =	sst s6  }
0xf: {  	[smem:$0x3FB3] =	sst s7  }
0x10: {  	[smem:$0x3FB4] =	sst s8  }
0x11: {  	[smem:$0x3FB5] =	sst s9;
	s0 =	simm.s32 @!p0 $0x0  }
0x12: {  	s1 =	sld [smem:$0x3F9B];
	s0 =	simm.s32 @p0 $0x1  }
0x13: {  	[smem:$0x3FB6] =	sst s0;
	s0 =	simm.s32 @!p1 $0x0  }
0x14: {  	s2 =	sld [smem:$0x3F9A];
	s0 =	simm.s32 @p1 $0x1  }
0x15: {  	[smem:$0x3FB7] =	sst s0;
	s0 =	simm.s32 @!p2 $0x0  }
0x16: {  	s3 =	sld [smem:$0x3FDB];
	s0 =	simm.s32 @p2 $0x1  }
0x17: {  	s4 =	simm.s32 $0x1BF5;
	[smem:$0x3FB9] =	sst s0  }
0x18: {  	s0 =	sld [smem:$0x3F9C];
	_ =	swait.ge [sflag:s4], $0x0  }
0x19: {  	s7 =	sld [smem:$0x3F9D]  }
0x1a: {  	s8 =	sadd.s32 $0xFFFFE003, lr  }
0x1b: {  	s9 =	sadd.s32 $0xFFFFFEF7, lr;
	s5 =	simm.s32 $0xFFFFFFFF;
	p2 =	slt.u32 s8, $0xFFFFF086  }
0x1c: {  	p1 =	slt.u32 s9, $0xF7A;
	s5 =	simm.s32 @!p2 $0x0  }
0x1d: {  	s5 =	simm.s32 @p1 $0x1;
	p0 =	seq.s32 s7, s2  }
0x1e: {  	s7 =	smul.u32 @!p0 $0xF7A, s2;
	p2 =	seq.s32 @!p0 s5, $0x0  }
0x1f: {  	s9 =	smul.u32 $0xF7A, s1;
	s8 =	simm.s32 @!p0 $0x1BF5;
	p2 =	por !p2, p0  }
0x20: {  	[sflag:s8] =	ssyncset.s32 @!p0 $0xFFFFF086;
	s6 =	sadd.s32 @!p0 s3, s7;
	s7 =	simm.s32 @!p0 $0x108  }
0x21: {  	s3 =	sadd.s32 s3, s9;
	s6 =	sadd.s32 @!p0 $0x88, s6;
	s7 =	simm.s32 @p2 $0x1082  }
0x22: {  	[simem:s7], [sflag:s8] =	dma.local @!p0 [hbm:s6], $0xF7A  }
0x23: {  	s9 =	sor.u32 $0xD0000000, s2;
	s6 =	simm.s32 $0x108;
	_ =	swait.ge @!p0 [sflag:s8], $0x0  }
0x24: {  	s3 =	sadd.s32 $0x88, s3;
	s6 =	simm.s32 @!p1 $0x1082;
	[sflag:s4] =	ssyncset.s32 $0xFFFFF086  }
0x25: {  	[simem:s6], [sflag:s4] =	dma.local [hbm:s3], $0xF7A  }
0x26: {  	[smem:$0x3F9D] =	sst s1;
	(tag) =	ssettag s2;
	_ =	strace s9  }
0x27: {  	s1 =	sld [smem:$0x3FAD]  }
0x28: {  	s2 =	sld [smem:$0x3FAE]  }
0x29: {  	s4 =	sld [smem:$0x3FB0]  }
0x2a: {  	p0 =	seq.s32 s5, $0x0;
	s5 =	sld [smem:$0x3FB1]  }
0x2b: {  	s6 =	sld [smem:$0x3FB2]  }
0x2c: {  	s7 =	sld [smem:$0x3FB3]  }
0x2d: {  	s3 =	simm.s32 $0x108;
	s8 =	sld [smem:$0x3FB4]  }
0x2e: {  	s3 =	simm.s32 @!p0 $0x1082;
	s9 =	sld [smem:$0x3FB5]  }
0x2f: {  	lr =	sadd.s32 s0, s3;
	s0 =	sld [smem:$0x3FAC]  }
0x30: {  	s3 =	sld [smem:$0x3FAF]  }
0x31: {  	[smem:$0x3FB8] =	sst s10  }
0x32: {  	s10 =	sld [smem:$0x3FB6];
	_ =	sdelay $0x3  }
0x33: {  	p0 =	seq.s32 s10, $0x1;
	s10 =	sld [smem:$0x3FB8];
	_ =	sdelay $0x3  }
0x34: {  	[smem:$0x3FB8] =	sst s10  }
0x35: {  	s10 =	sld [smem:$0x3FB7];
	_ =	sdelay $0x3  }
0x36: {  	p1 =	seq.s32 s10, $0x1;
	s10 =	sld [smem:$0x3FB8];
	_ =	sdelay $0x3  }
0x37: {  	[smem:$0x3FB8] =	sst s10  }
0x38: {  	s10 =	sld [smem:$0x3FB9]  }
0x39: {  	_ = 	snop;
	(pc) =	sbr.ind lr, $3  }
0x3a: {  	_ = 	snop  }
0x3b: {  	_ = 	snop  }
0x3c: {  	p2 =	seq.s32 s10, $0x1;
	s10 =	sld [smem:$0x3FB8]  }
0x3d: {  	_ =	shalt  }
0x3e: {  	_ =	shalt  }
0x3f: {  	_ =	shalt  }
0x40: {  	_ =	shalt  }
0x41: {  	_ =	shalt  }
0x42: {  	_ =	shalt  }
0x43: {  	_ =	shalt  }
0x44: {  	_ =	shalt  }
0x45: {  	_ =	shalt  }
0x46: {  	_ =	shalt  }
0x47: {  	_ =	shalt  }
0x48: {  	_ =	shalt  }
0x49: {  	_ =	shalt  }
0x4a: {  	_ =	shalt  }
0x4b: {  	_ =	shalt  }
0x4c: {  	_ =	shalt  }
0x4d: {  	_ =	shalt  }
0x4e: {  	_ =	shalt  }
0x4f: {  	_ =	shalt  }
0x50: {  	_ =	shalt  }
0x51: {  	_ =	shalt  }
0x52: {  	_ =	shalt  }
0x53: {  	_ =	shalt  }
0x54: {  	_ =	shalt  }
0x55: {  	_ =	shalt  }
0x56: {  	_ =	shalt  }
0x57: {  	_ =	shalt  }
0x58: {  	_ =	shalt  }
0x59: {  	_ =	shalt  }
0x5a: {  	_ =	shalt  }
0x5b: {  	_ =	shalt  }
0x5c: {  	_ =	shalt  }
0x5d: {  	_ =	shalt  }
0x5e: {  	_ =	shalt  }
0x5f: {  	_ =	shalt  }
0x60: {  	_ =	shalt  }
0x61: {  	_ =	shalt  }
0x62: {  	_ =	shalt  }
0x63: {  	_ =	shalt  }
0x64: {  	_ =	shalt  }
0x65: {  	_ =	shalt  }
0x66: {  	_ =	shalt  }
0x67: {  	_ =	shalt  }
0x68: {  	_ =	shalt  }
0x69: {  	_ =	shalt  }
0x6a: {  	_ =	shalt  }
0x6b: {  	_ =	shalt  }
0x6c: {  	_ =	shalt  }
0x6d: {  	_ =	shalt  }
0x6e: {  	_ =	shalt  }
0x6f: {  	_ =	shalt  }
0x70: {  	_ =	shalt  }
0x71: {  	_ =	shalt  }
0x72: {  	_ =	shalt  }
0x73: {  	_ =	shalt  }
0x74: {  	_ =	shalt  }
0x75: {  	_ =	shalt  }
0x76: {  	_ =	shalt  }
0x77: {  	_ =	shalt  }
0x78: {  	_ =	shalt  }
0x79: {  	_ =	shalt  }
0x7a: {  	_ =	shalt  }
0x7b: {  	_ =	shalt  }
0x7c: {  	_ =	shalt  }
0x7d: {  	_ =	shalt  }
0x7e: {  	_ =	shalt  }
0x7f: {  	_ =	shalt  }
0x80: {  	_ =	shalt  }
0x81: {  	_ =	shalt  }
0x82: {  	_ =	shalt  }
0x83: {  	_ =	shalt  }
0x84: {  	_ =	shalt  }
0x85: {  	_ =	shalt  }
0x86: {  	_ =	shalt  }
0x87: {  	_ =	shalt  }
.Lfunc_end0:
.L_simem_size_0:
called_computation_lowered:
.L_overlay_start_0:
0x88: {  	s2 =	sld [smem:$0x3FD9]  }
0x89: {  	s3 =	sld [smem:$0x3FFE];
	_ =	sdelay $0x1  }
0x8a: {  	s1 =	srdreg.scid  }
0x8b: {  	s0 =	sand.u32 $0x1, s1  }
0x8c: {  	s16 =	sshll.u32 s0, $0xA;
	s2 =	sadd.s32 s3, s2  }
0x8d: {  	s2 =	sadd.s32 s2, s16  }
0x8e: {  	[smem:$0x3FC4] =	sst s2  }
0x8f: {  	_ = 	snop  }
0x90: {  	(tm) =	ssettm $0x1  }
0x91: {  	s17 =	sld [smem:$0x3FFB];
	_ =	sdelay $0x3  }
0x92: {  	_ =	strace s17  }
0x93: {  	s2 =	sld [smem:$0x3FFC];
	_ =	sdelay $0x3  }
0x94: {  	_ =	strace s2  }
0x95: {  	s2 =	sld [smem:$0x3FFD];
	_ =	sdelay $0x3  }
0x96: {  	_ =	strace s2  }
0x97: {  	_ =	strace $0x8FFFFFFF  }
0x98: {  	s18 =	sld [smem:$0x3FDB];
	_ =	sdelay $0x1  }
0x99: {  	s19 =	simm.s32 $_scs_section_size  }
0x9a: {  	s4 =	simm.s32 $_size__tile_overlayer_lowered;
	s5 =	simm.s32 $_tile_overlayer_lowered  }
0x9b: {  	s22 =	simm.s32 $0x1BFF;
	s21 =	sshll.u32 s5, $0x1;
	s2 =	sadd.s32 s19, s18  }
0x9c: {  	s6 =	simm.s32 $0x0;
	s20 =	sshll.u32 s4, $0x1;
	s4 =	sadd.s32 s21, s2  }
0x9d: {  	[timem:s6], [sflag:s22] =	dma.local [hbm:s4], s20  }
0x9e: {  	_ =	swait.ge [sflag:s22], s20  }
0x9f: {  	s3 =	ssub.s32 $0x0, s20;
	[sflag:s22] =	ssyncset.done $0x0  }
0xa0: {  	[sflag:s22] =	ssyncadd.s32 s3;
	_ =	sdelay $0x1  }
0xa1: {  	s23 =	simm.s32 $0x1B8B  }
0xa2: {  	_ =	swait.ge [sflag:s23], $0x1  }
0xa3: {  	[sflag:s23] =	ssyncset.done $0x0  }
0xa4: {  	s25 =	simm.s32 $0x1B8E;
	s24 =	sld [smem:$0x3FFE];
	[sflag:s23] =	ssyncadd.s32 $0xFFFFFFFF  }
0xa5: {  	s26 =	simm.s32 $execute0_lowered;
	[smem:$0x3FD2] =	sst s25  }
0xa6: {  	s4 =	sshll.u32 s26, $0x1;
	_ =	strace $0x80000046;
	[dreg:$0x1] =	wrdreg $0xFFFFFFFF  }
0xa7: {  	s28 =	simm.s32 $_size_execute0_lowered;
	s2 =	sadd.s32 s2, s4;
	[dreg:$0x0] =	wrdreg $0x0  }
0xa8: {  	s4 =	sshll.u32 s28, $0x1;
	[dreg:$0x2] =	wrdreg s2  }
0xa9: {  	[dreg:$0x3] =	wrdreg s4  }
0xaa: {  	[dreg:$0x4] =	wrdreg $0xC0  }
0xab: {  	_ =	task [dreg:s6], $0x5FFFF  }
0xac: {  	[dreg:$0x1] =	wrdreg $0xFFFFFFFF  }
0xad: {  	[dreg:$0x0] =	wrdreg $0x60  }
0xae: {  	[dreg:$0x2] =	wrdreg s24  }
0xaf: {  	[dreg:$0x3] =	wrdreg $0x9  }
0xb0: {  	_ =	task.clear_ibuf [dreg:s6], $0x4FFFF;
	_ =	strace $0x90000046  }
0xb1: {  	s29 =	simm.s32 $0x9;
	_ =	strace $0x80000048  }
0xb2: {  	_ =	swait.ge [sflag:s29], $0x1  }
0xb3: {  	[sflag:s29] =	ssyncadd.s32 $0xFFFFFFFF  }
0xb4: {  	_ =	strace $0x90000048  }
0xb5: {  	_ =	sfence  }
0xb6: {  	s30 =	sld [smem:$0x0];
	_ =	sdelay $0x2  }
0xb7: {  	s31 =	sshll.u32 s1, $0xD;
	s1 =	sshrl.u32 s1, $0x2  }
0xb8: {  	s3 =	sand.u32 $0x4000, s31;
	s1 =	sadd.s32 s1, s30  }
0xb9: {  	s0 =	sor.u32 s3, s0;
	s1 =	sshll.u32 s1, $0x11  }
0xba: {  	s0 =	sor.u32 s1, s0  }
0xbb: {  	s0 =	sadd.s32 $0x8F2B, s0  }
0xbc: {  	[sflag:s0] =	ssyncadd.remote.s32 $0x1  }
0xbd: {  	_ =	sfence.sel $0xFFFF  }
0xbe: {  	[dreg:$0x0] =	wrdreg $0xFFFFFFFF;
	(pc) =	sbr.abs _section_cstart, $3  }
0xbf: {  	[dreg:$0x1] =	wrdreg $0xFFFFFFFF  }
0xc0: {  	_ =	task.clear_ibuf [dreg:s6], $0x2FFFF;
	_ =	strace $0x9FFFFFFF  }
0xc1: {  	(tm) =	ssettm $0x7FFFFFFF  }
tec
execute0_lowered:
.L_overlay_start_1:
0x0: {  	(tag) =	ssettag $0x1  }
0x1: {  	s1 =	srdreg.scid  }
0x2: {  	s0 =	stileid.u32;
	s6 =	sand.u32 $0x1, s1  }
0x3: {  	s8 =	rddreg [dreg:$0x0];
	s30 =	sshll.u32 s0, $0x9;
	s2 =	sshll.u32 s6, $0x8  }
0x4: {  	s7 =	simm.s32 $0x1;
	s1 =	rddreg [dreg:$0x1];
	s9 =	sor.u32 s2, s30  }
0x5: {  	s5 =	sadd.s32 $0xC00, s8;
	s2 =	simm.s32 $0x0;
	s3 =	sshrl.u32 s9, $0x3  }
0x6: {  	s10 =	ssub.s32 $0x2, s6;
	[smem:$0x7FF] =	sst s2;
	s3 =	sadd.s32 s3, s8  }
0x7: {  	_ =	strace $0x80000047;
	s4 =	sadd.s32 $0x800, s3;
	s3 =	simm.s32 $0x2  }
0x8: {  	[tilespmem:s2], [sflag:$0x2] =	stream.linear.gather [hbm4b:s4+s2], $0x100, $0x38;
	[tilespmem:$0x8100] =	vst v63  }
0x9: {  	s6 =	simm.s32 $0x100;
	s11 =	sshrl.u32 s10, $0x1;
	_ =	swait.ge [sflag:s3], $0x100  }
0xa: {  	s9 =	sshll.u32 s9, $0x4;
	s31 =	ssub.s32 s10, s11;
	[sflag:s3] =	ssyncset.done $0x0  }
0xb: {  	s8 =	sadd.s32 s9, s8;
	s9 =	smax.u32 s31, $0x1;
	[sflag:s3] =	ssyncadd.s32 $0xFFFFFF00  }
0xc: {  	[tilespmem:s6], [sflag:$0x1] =	stream.indirect.gather [hbm4b:s5+s6], $0x80, s2, s6, $0xb8;
	[tilespmem:$0x8100] =	vst v63  }
0xd: {  	p0 =	sne.s32 s9, $0x1;
	_ =	swait.ge [sflag:s7], $0x8000  }
.Ltmp0:
0xe: {  	[sflag:s7] =	ssyncset.done $0x0;
	(pc) =	sbr.rel @!p0 .LBB2_2-.Ltmp0, $4  }
0xf: {  	s8 =	sadd.s32 $0x20C00, s8;
	[sflag:s7] =	ssyncadd.s32 $0xFFFF8000  }
0x10: {  	[hbm4b:s8+s2] =	stream.linear.scatter [tilespmem:s6], [sflag:$0x2], $0x8000, $0x38;
	[tilespmem:$0x8100] =	vst v63  }
0x11: {  	_ =	swait.ge [sflag:s3], $0x8000  }
0x12: {  	s9 =	sadd.s32 $0xFFFFFFFF, s9;
	[sflag:s3] =	ssyncset.done $0x0  }
.LBB2_1:
0x13: {  	p0 =	sne.s32 s9, $0x1;
	s9 =	sadd.s32 $0xFFFFFFFF, s9;
	[sflag:s3] =	ssyncadd.s32 $0xFFFF8000  }
0x14: {  	[tilespmem:s2], [sflag:$0x2] =	stream.linear.gather [hbm4b:s4+s2], $0x100, $0x38;
	[tilespmem:$0x8100] =	vst v63  }
0x15: {  	_ =	swait.ge [sflag:s3], $0x100  }
0x16: {  	[sflag:s3] =	ssyncset.done $0x0  }
0x17: {  	[sflag:s3] =	ssyncadd.s32 $0xFFFFFF00  }
0x18: {  	[tilespmem:s6], [sflag:$0x1] =	stream.indirect.gather [hbm4b:s5+s6], $0x80, s2, s6, $0xb8;
	[tilespmem:$0x8100] =	vst v63  }
0x19: {  	_ =	swait.ge [sflag:s7], $0x8000  }
.Ltmp1:
0x1a: {  	[sflag:s7] =	ssyncset.done $0x0;
	(pc) =	sbr.rel @p0 .LBB2_1-.Ltmp1, $4  }
0x1b: {  	[sflag:s7] =	ssyncadd.s32 $0xFFFF8000  }
0x1c: {  	[hbm4b:s8+s2] =	stream.linear.scatter [tilespmem:s6], [sflag:$0x2], $0x8000, $0x38;
	[tilespmem:$0x8100] =	vst v63  }
0x1d: {  	_ =	swait.ge [sflag:s3], $0x8000  }
0x1e: {  	[sflag:s3] =	ssyncset.done $0x0  }
.LBB2_2:
0x1f: {  	[sflag:s3] =	ssyncadd.s32 $0xFFFF8000  }
0x20: {  	_ =	sfence.sel $0x180000  }
0x21: {  	[bflag:$0x0] =	sbarrier.arrive $0xFFFF  }
0x22: {  	p0 =	sne.s32 s0, $0x0;
	_ =	strace $0x90000047  }
0x23: {  	s0 =	sadd.s32 @!p0 $0x100000, s1;
	[bflag:$0x2] =	sbarrier.arrive $0xFFFF  }
0x24: {  	[sflag:s0] =	ssyncadd.tile.s32 @!p0 $0x1;
	_ =	shalt  }
.Lfunc_end2:
_tile_overlayer_lowered:
.L_overlay_start_2:
0x25: {  	(tag) =	ssettag $0x2  }
0x26: {  	s0 =	rddreg [dreg:$0x0];
	s2 =	stileid.u32  }
0x27: {  	s1 =	rddreg [dreg:$0x1];
	p0 =	sne.s32 s2, $0x0  }
0x28: {  	s3 =	rddreg [dreg:$0x2];
	[bflag:$0x3] =	sbarrier.arrive $0xFFFF;
	s2 =	simm.s32 @!p0 $0x1C02  }
0x29: {  	[timem:s3], [sflag:s2] =	dma.local @!p0 [hbm:s0], s1  }
0x2a: {  	s0 =	simm.s32 @!p0 $0x2  }
0x2b: {  	_ =	swait.ge @!p0 [sflag:s0], s1  }
0x2c: {  	s1 =	ssub.s32 @!p0 $0x0, s1;
	[sflag:s0] =	ssyncset.done @!p0 $0x0  }
0x2d: {  	[sflag:s0] =	ssyncadd.s32 @!p0 s1  }
0x2e: {  	[bflag:$0x3] =	sbarrier.arrive $0xFFFF  }
0x2f: {  	_ =	shalt  }

</sc_bundles>
